<compile_context>
chip_gen: v7x
topology: tpu7x:2x2x1
jax: 0.10.2.dev20260603
libtpu: 0.0.44.dev20260713+nightly
codegen_flags: <defaults>
</compile_context>

<pallas_src>
import functools

import jax
import jax.numpy as jnp
from jax import lax
from jax.experimental import pallas as pl
from jax.experimental.pallas import tpu as pltpu
from jax.experimental.pallas import tpu_sc as plsc

N = 50000
D = 64
E = 800000

NC = 2
NS = 16
HALF = N // NC
ACC_ROWS = 25600
ROWS_PER_TILE = ACC_ROWS // NS
TRASH_MASK = 511

KC = 128
NCHUNK = E // KC
CHT = NCHUNK // NS
LEFT = CHT * NS
GS = 16
SUP = CHT // GS
TAILC = CHT - SUP * GS

_mesh = plsc.VectorSubcoreMesh(
    core_axis_name="c", subcore_axis_name="s", num_cores=NC, num_subcores=NS)


DW = 16
NPT = N // NS


@functools.partial(
    pl.kernel,
    out_type=jax.ShapeDtypeStruct((NC, N, DW), jnp.float32),
    mesh=_mesh,
    scratch_types=[
        pltpu.VMEM((CHT, KC), jnp.int32),
        pltpu.VMEM((KC, DW), jnp.float32),
        pltpu.SemaphoreType.DMA,
        pltpu.VMEM_SHARED((N, DW), jnp.float32),
    ],
    compiler_params=pltpu.CompilerParams(use_tc_tiling_on_sc=False),
)
def _deg_kernel(edges3, ones_hbm, zeros_hbm, deg_out, idx2, onesv, sem, deg_sp):
    c = lax.axis_index("c")
    s = lax.axis_index("s")
    pltpu.sync_copy(ones_hbm, onesv)
    pltpu.sync_copy(zeros_hbm, deg_sp.at[pl.ds(s * NPT, NPT)])
    pltpu.sync_copy(edges3.at[c, pl.ds(s * CHT, CHT)], idx2)
    plsc.subcore_barrier()

    WIN = 6

    def fire(j, carry):
        pltpu.async_copy(onesv, deg_sp.at[idx2.at[j]], sem, add=True)

        @pl.when(j >= WIN)
        def _():
            pltpu.make_async_copy(onesv, deg_sp.at[idx2.at[j]], sem).wait()
        return carry
    lax.fori_loop(0, CHT, fire, 0)

    def drain(j, carry):
        pltpu.make_async_copy(onesv, deg_sp.at[idx2.at[0]], sem).wait()
        return carry
    lax.fori_loop(0, WIN, drain, 0)

    @pl.when(s < NCHUNK - LEFT)
    def _extra():
        pltpu.sync_copy(edges3.at[c, pl.ds(LEFT + s, 1)], idx2.at[pl.ds(0, 1)])
        pltpu.sync_copy(onesv, deg_sp.at[idx2.at[0]], add=True)

    plsc.subcore_barrier()
    pltpu.sync_copy(deg_sp.at[pl.ds(s * NPT, NPT)],
                    deg_out.at[c, pl.ds(s * NPT, NPT)])


@functools.partial(
    pl.kernel,
    out_type=jax.ShapeDtypeStruct((NC, ACC_ROWS, D), jnp.float32),
    mesh=_mesh,
    scratch_types=[
        pltpu.VMEM((GS, KC), jnp.int32),
        pltpu.VMEM((GS, KC), jnp.int32),
        pltpu.VMEM((GS * KC + 16,), jnp.int32),
        pltpu.VMEM((GS * KC + 16,), jnp.int32),
        pltpu.VMEM((KC, D), jnp.float32),
        pltpu.VMEM((KC, D), jnp.float32),
        pltpu.SemaphoreType.DMA,
        pltpu.SemaphoreType.DMA,
        pltpu.SemaphoreType.DMA,
        pltpu.SemaphoreType.DMA,
        pltpu.VMEM_SHARED((ACC_ROWS, D), jnp.float32),
    ],
    compiler_params=pltpu.CompilerParams(
        use_tc_tiling_on_sc=False, needs_layout_passes=False),
)
def _agg_kernel(x, edges3, zrows, out, src2, dst2, csrc, clidx,
                rowsA, rowsB, gA, gB, tA, tB, acc):
    c = lax.axis_index("c")
    s = lax.axis_index("s")
    lo = c * HALF

    pltpu.sync_copy(zrows, acc.at[pl.ds(s * ROWS_PER_TILE, ROWS_PER_TILE)])
    plsc.subcore_barrier()

    def lidx_row(j):
        for i in range(KC // 16):
            d = dst2[j, pl.ds(i * 16, 16)]
            inb = (d >= lo) & (d < lo + HALF)
            dst2[j, pl.ds(i * 16, 16)] = jnp.where(
                inb, d - lo, HALF + (d & TRASH_MASK))

    def start_gather(j, buf, sem):
        pltpu.async_copy(x.at[csrc.at[pl.ds(j * KC, KC)]], buf, sem)

    def wait_gather(buf, sem):
        pltpu.make_async_copy(x.at[csrc.at[pl.ds(0, KC)]], buf, sem).wait()

    def start_scatter(j, buf, sem):
        pltpu.async_copy(buf, acc.at[clidx.at[pl.ds(j * KC, KC)]], sem,
                         add=True)

    def wait_scatter(buf, sem):
        pltpu.make_async_copy(buf, acc.at[clidx.at[pl.ds(0, KC)]], sem).wait()

    def super_body(base, nmicro):
        pltpu.sync_copy(edges3.at[0, pl.ds(base, nmicro)],
                        src2.at[pl.ds(0, nmicro)])
        pltpu.sync_copy(edges3.at[1, pl.ds(base, nmicro)],
                        dst2.at[pl.ds(0, nmicro)])

        def comp(v, off):
            r = v >> 3
            cb = (v & 7) * 16
            d = dst2[r, pl.ds(cb, 16)]
            sv = src2[r, pl.ds(cb, 16)]
            inb = (d >= lo) & (d < lo + HALF)
            mi = inb.astype(jnp.int32)
            cum = plsc.cumsum(mi)
            pos = jnp.where(inb, off + cum - mi,
                            GS * KC + lax.iota(jnp.int32, 16))
            plsc.store_scatter(clidx, [pos], d - lo)
            plsc.store_scatter(csrc, [pos], sv)
            pc = plsc.all_reduce_population_count(inb)
            return off + pc[0]
        off = lax.fori_loop(0, nmicro * (KC // 16), comp, 0)

        nmic = (off + KC - 1) >> 7

        def pad(t, carry):
            pos = t * 16 + lax.iota(jnp.int32, 16)
            m = pos >= off
            cl = clidx[pl.ds(t * 16, 16)]
            cs = csrc[pl.ds(t * 16, 16)]
            clidx[pl.ds(t * 16, 16)] = jnp.where(
                m, HALF + (pos & TRASH_MASK), cl)
            csrc[pl.ds(t * 16, 16)] = jnp.where(m, pos, cs)
            return carry
        lax.fori_loop(off >> 4, (nmic * KC) >> 4, pad, 0)

        def fire(m, carry):
            j0 = 2 * m
            j1 = j0 + 1

            @pl.when(m > 0)
            def _():
                wait_scatter(rowsA, tA)
            start_gather(j0, rowsA, gA)

            @pl.when(m > 0)
            def _():
                wait_scatter(rowsB, tB)

            @pl.when(j1 < nmic)
            def _():
                start_gather(j1, rowsB, gB)
            wait_gather(rowsA, gA)
            start_scatter(j0, rowsA, tA)

            @pl.when(j1 < nmic)
            def _():
                wait_gather(rowsB, gB)
                start_scatter(j1, rowsB, tB)
            return carry
        lax.fori_loop(0, (nmic + 1) >> 1, fire, 0)

        @pl.when(nmic > 0)
        def _():
            wait_scatter(rowsA, tA)

        @pl.when((nmic > 0) & ((nmic & 1) == 0))
        def _():
            wait_scatter(rowsB, tB)

    def outer(u, carry):
        super_body(s * CHT + u * GS, GS)
        return carry
    lax.fori_loop(0, SUP, outer, 0)
    if TAILC:
        super_body(s * CHT + SUP * GS, TAILC)

    @pl.when(s < NCHUNK - LEFT)
    def _extra():
        pltpu.sync_copy(edges3.at[0, pl.ds(LEFT + s, 1)], src2.at[pl.ds(0, 1)])
        pltpu.sync_copy(edges3.at[1, pl.ds(LEFT + s, 1)], dst2.at[pl.ds(0, 1)])
        lidx_row(0)
        pltpu.sync_copy(x.at[src2.at[0]], rowsA)
        pltpu.sync_copy(rowsA, acc.at[dst2.at[0]], add=True)

    plsc.subcore_barrier()
    pltpu.sync_copy(acc.at[pl.ds(s * ROWS_PER_TILE, ROWS_PER_TILE)],
                    out.at[c, pl.ds(s * ROWS_PER_TILE, ROWS_PER_TILE)])


BM = 2000


def _mm_body(emb_ref, deg_ref, w_ref, x_ref):
    ns = lax.rsqrt(jnp.clip(deg_ref[0, :, 0:1], 1.0, None))
    x_ref[...] = jnp.dot(emb_ref[...] * ns, w_ref[...],
                         preferred_element_type=jnp.float32)


def _mm_call(emb, deg, W):
    return pl.pallas_call(
        _mm_body,
        grid=(N // BM,),
        in_specs=[
            pl.BlockSpec((BM, D), lambda i: (i, 0)),
            pl.BlockSpec((1, BM, DW), lambda i: (0, i, 0)),
            pl.BlockSpec((D, D), lambda i: (0, 0)),
        ],
        out_specs=pl.BlockSpec((BM, D), lambda i: (i, 0)),
        out_shape=jax.ShapeDtypeStruct((N, D), jnp.float32),
    )(emb, deg, W)


BD = 1000
_HB = HALF // BD


def _fin_body(agg_ref, deg_ref, b_ref, out_ref):
    nd = lax.rsqrt(jnp.clip(deg_ref[0, :, 0:1], 1.0, None))
    out_ref[...] = agg_ref[0] * nd + b_ref[...]


def _fin_call(aggs, deg, b2d):
    return pl.pallas_call(
        _fin_body,
        grid=(N // BD,),
        in_specs=[
            pl.BlockSpec((1, BD, D), lambda i: (i // _HB, i % _HB, 0)),
            pl.BlockSpec((1, BD, DW), lambda i: (1, i, 0)),
            pl.BlockSpec((1, D), lambda i: (0, 0)),
        ],
        out_specs=pl.BlockSpec((BD, D), lambda i: (i, 0)),
        out_shape=jax.ShapeDtypeStruct((N, D), jnp.float32),
    )(aggs, deg, b2d)


def kernel(node_embeddings, W, b, edge_index):
    edges3 = edge_index.astype(jnp.int32).reshape(2, NCHUNK, KC)
    ones16 = jnp.ones((KC, DW), jnp.float32)
    zeros16 = jnp.zeros((NPT, DW), jnp.float32)
    deg = _deg_kernel(edges3, ones16, zeros16)
    x = _mm_call(node_embeddings, deg, W)
    zrows = jnp.zeros((ROWS_PER_TILE, D), jnp.float32)
    aggs = _agg_kernel(x, edges3, zrows)
    return _fin_call(aggs, deg, b.reshape(1, D))

# --- scband reference (transcript-rebuilt; emitter-appended) ---
"""Pipeline reference for scband-hgwave-net-9019431321780 (READ-ONLY COPY).

The authoritative reference and input builder live on the scoring server;
editing this copy changes nothing except your own understanding.
"""

import jax, jax.numpy as jnp
import numpy as np

N = 50000
D = 64
E = 800000

def setup_inputs(seed: int = 0) -> dict:
    key = jax.random.key(seed)
    k1, k2, k3 = jax.random.split(key, 3)
    edge_index = jax.random.randint(k1, (2, E), 0, N)
    node_embeddings = jax.random.normal(k2, (N, D), dtype=jnp.float32)
    W = jax.random.normal(k3, (D, D), dtype=jnp.float32) * (1.0 / np.sqrt(D))
    b = jnp.zeros((D,), dtype=jnp.float32)
    return {"node_embeddings": node_embeddings, "W": W, "b": b, "edge_index": edge_index}

def reference(node_embeddings, W, b, edge_index):
    # First-call forward of HGWaveNet: history_embs is empty (<3 entries),
    # so output is just GraphConv(graph, node_embeddings).
    # DGL GraphConv with norm='both': h = D_in^{-1/2} A D_out^{-1/2} X W + b
    src = edge_index[0]
    dst = edge_index[1]
    ones = jnp.ones((E,), dtype=jnp.float32)
    deg_out = jax.ops.segment_sum(ones, src, num_segments=N)
    deg_in = jax.ops.segment_sum(ones, dst, num_segments=N)
    norm_src = jax.lax.rsqrt(jnp.clip(deg_out, 1.0, None))
    norm_dst = jax.lax.rsqrt(jnp.clip(deg_in, 1.0, None))
    x = node_embeddings * norm_src[:, None]
    x = x @ W  # in_dim == out_dim, apply weight before aggregation
    msg = jnp.take(x, src, axis=0)
    agg = jax.ops.segment_sum(msg, dst, num_segments=N)
    h = agg * norm_dst[:, None] + b
    return h

if __name__ == "__main__":
    import jax
    _d = setup_inputs()
    print(jax.jit(kernel)(*tuple(_d.values())))

</pallas_src>

<mosaic_0001>
#map = affine_map<(d0, d1) -> (0, 0)>
#map1 = affine_map<(d0, d1) -> (0, 0, 0)>
module attributes {stable_mosaic.version = 14 : i64} {
  func.func @_agg_kernel(%arg0: i32, %arg1: i32, %arg2: memref<50000x64xf32, #tpu.memory_space<hbm>>, %arg3: memref<2x6250x128xi32, #tpu.memory_space<hbm>>, %arg4: memref<1600x64xf32, #tpu.memory_space<hbm>>, %arg5: memref<2x25600x64xf32, #tpu.memory_space<hbm>>, %arg6: memref<16x128xi32, #tpu.memory_space<vmem>>, %arg7: memref<16x128xi32, #tpu.memory_space<vmem>>, %arg8: memref<2064xi32, #tpu.memory_space<vmem>>, %arg9: memref<2064xi32, #tpu.memory_space<vmem>>, %arg10: memref<128x64xf32, #tpu.memory_space<vmem>>, %arg11: memref<128x64xf32, #tpu.memory_space<vmem>>, %arg12: memref<!tpu.dma_semaphore, #tpu.memory_space<semaphore_mem>>, %arg13: memref<!tpu.dma_semaphore, #tpu.memory_space<semaphore_mem>>, %arg14: memref<!tpu.dma_semaphore, #tpu.memory_space<semaphore_mem>>, %arg15: memref<!tpu.dma_semaphore, #tpu.memory_space<semaphore_mem>>, %arg16: memref<25600x64xf32, #tpu.memory_space<vmem_shared>>) attributes {dimension_semantics = [#tpu.dimension_semantics<core_parallel>, #tpu.dimension_semantics<subcore_parallel>], iteration_bounds = array<i64: 2, 16>, scalar_prefetch = 0 : i64, scratch_operands = 11 : i64, tpu.core_type = #tpu.core_type<sc_vector_subcore>, window_params = [{transform_indices = #map}, {transform_indices = #map1}, {transform_indices = #map}, {transform_indices = #map1}]} {
    %mul3A = arith.constant 25000 : i32
    %mul3A_0 = arith.muli %arg0, %mul3A : i32
    %mul3A_1 = arith.constant 1600 : i32
    %mul3A_2 = arith.muli %arg1, %mul3A_1 : i32
    "tpu.region"() ({
      %run_scoped3A_70 = tpu.sem_alloc : memref<!tpu.dma_semaphore, #tpu.memory_space<semaphore_mem>>
      %dma_start3A = arith.constant 0 : i32
      %dma_start3A_71 = tpu.memref_slice %arg16[%mul3A_2, %dma_start3A] : memref<25600x64xf32, #tpu.memory_space<vmem_shared>> -> memref<1600x64xf32, #tpu.memory_space<vmem_shared>>
      tpu.enqueue_dma source(%arg4 : memref<1600x64xf32, #tpu.memory_space<hbm>>) target(%dma_start3A_71 : memref<1600x64xf32, #tpu.memory_space<vmem_shared>>) target_semaphore(%run_scoped3A_70 : memref<!tpu.dma_semaphore, #tpu.memory_space<semaphore_mem>>)
      %dma_wait3A = arith.constant 0 : i32
      %dma_wait3A_72 = tpu.memref_slice %arg16[%mul3A_2, %dma_wait3A] : memref<25600x64xf32, #tpu.memory_space<vmem_shared>> -> memref<1600x64xf32, #tpu.memory_space<vmem_shared>>
      tpu.wait_dma2 semaphore(%run_scoped3A_70 : memref<!tpu.dma_semaphore, #tpu.memory_space<semaphore_mem>>) src(%arg4 : memref<1600x64xf32, #tpu.memory_space<hbm>>) dst(%dma_wait3A_72 : memref<1600x64xf32, #tpu.memory_space<vmem_shared>>)
      tpu.yield
    }) : () -> ()
    %barrier3A = arith.constant 0 : index
    tpu.barrier barrier_id(%barrier3A)
    %scan3A = arith.constant 0 : i32
    %scan3A_3 = arith.constant 0 : i32
    %scan3A_4 = arith.constant 24 : i32
    %scan3A_5 = arith.addi %scan3A_3, %scan3A_4 : i32
    %scan3A_6 = arith.constant 1 : i32
    scf.for %scan3A_70 = %scan3A_3 to %scan3A_5 step %scan3A_6  : i32 {
      %mul3A_71 = arith.constant 390 : i32
      %mul3A_72 = arith.muli %arg1, %mul3A_71 : i32
      %mul3A_73 = arith.constant 16 : i32
      %mul3A_74 = arith.muli %scan3A_70, %mul3A_73 : i32
      %add3A_75 = arith.addi %mul3A_72, %mul3A_74 : i32
      %run_scoped3A_76 = arith.constant 0 : i32
      "tpu.region"() ({
        %run_scoped3A_135 = tpu.sem_alloc : memref<!tpu.dma_semaphore, #tpu.memory_space<semaphore_mem>>
        %dma_start3A = arith.constant 0 : i32
        %dma_start3A_136 = arith.constant 0 : i32
        %dma_start3A_137 = tpu.memref_slice %arg6[%dma_start3A, %dma_start3A_136] : memref<16x128xi32, #tpu.memory_space<vmem>> -> memref<16x128xi32, #tpu.memory_space<vmem>>
        %dma_start3A_138 = arith.constant 0 : i32
        %dma_start3A_139 = tpu.memref_slice %arg3[%run_scoped3A_76, %add3A_75, %dma_start3A_138] : memref<2x6250x128xi32, #tpu.memory_space<hbm>> -> memref<1x16x128xi32, #tpu.memory_space<hbm>>
        %dma_start3A_140 = tpu.memref_squeeze %dma_start3A_139 : memref<1x16x128xi32, #tpu.memory_space<hbm>> -> memref<16x128xi32, #tpu.memory_space<hbm>>
        %dma_start3A_141 = arith.constant 0 : i32
        %dma_start3A_142 = arith.constant 0 : i32
        %dma_start3A_143 = tpu.memref_slice %arg6[%dma_start3A_141, %dma_start3A_142] : memref<16x128xi32, #tpu.memory_space<vmem>> -> memref<16x128xi32, #tpu.memory_space<vmem>>
        %dma_start3A_144 = arith.constant 0 : i32
        %dma_start3A_145 = tpu.memref_slice %arg3[%run_scoped3A_76, %add3A_75, %dma_start3A_144] : memref<2x6250x128xi32, #tpu.memory_space<hbm>> -> memref<1x16x128xi32, #tpu.memory_space<hbm>>
        %dma_start3A_146 = tpu.memref_squeeze %dma_start3A_145 : memref<1x16x128xi32, #tpu.memory_space<hbm>> -> memref<16x128xi32, #tpu.memory_space<hbm>>
        tpu.enqueue_dma source(%dma_start3A_146 : memref<16x128xi32, #tpu.memory_space<hbm>>) target(%dma_start3A_143 : memref<16x128xi32, #tpu.memory_space<vmem>>) target_semaphore(%run_scoped3A_135 : memref<!tpu.dma_semaphore, #tpu.memory_space<semaphore_mem>>)
        %dma_wait3A = arith.constant 0 : i32
        %dma_wait3A_147 = arith.constant 0 : i32
        %dma_wait3A_148 = tpu.memref_slice %arg6[%dma_wait3A, %dma_wait3A_147] : memref<16x128xi32, #tpu.memory_space<vmem>> -> memref<16x128xi32, #tpu.memory_space<vmem>>
        %dma_wait3A_149 = arith.constant 0 : i32
        %dma_wait3A_150 = tpu.memref_slice %arg3[%run_scoped3A_76, %add3A_75, %dma_wait3A_149] : memref<2x6250x128xi32, #tpu.memory_space<hbm>> -> memref<1x16x128xi32, #tpu.memory_space<hbm>>
        %dma_wait3A_151 = tpu.memref_squeeze %dma_wait3A_150 : memref<1x16x128xi32, #tpu.memory_space<hbm>> -> memref<16x128xi32, #tpu.memory_space<hbm>>
        %dma_wait3A_152 = arith.constant 0 : i32
        %dma_wait3A_153 = arith.constant 0 : i32
        %dma_wait3A_154 = tpu.memref_slice %arg6[%dma_wait3A_152, %dma_wait3A_153] : memref<16x128xi32, #tpu.memory_space<vmem>> -> memref<16x128xi32, #tpu.memory_space<vmem>>
        %dma_wait3A_155 = arith.constant 0 : i32
        %dma_wait3A_156 = tpu.memref_slice %arg3[%run_scoped3A_76, %add3A_75, %dma_wait3A_155] : memref<2x6250x128xi32, #tpu.memory_space<hbm>> -> memref<1x16x128xi32, #tpu.memory_space<hbm>>
        %dma_wait3A_157 = tpu.memref_squeeze %dma_wait3A_156 : memref<1x16x128xi32, #tpu.memory_space<hbm>> -> memref<16x128xi32, #tpu.memory_space<hbm>>
        tpu.wait_dma2 semaphore(%run_scoped3A_135 : memref<!tpu.dma_semaphore, #tpu.memory_space<semaphore_mem>>) src(%dma_wait3A_157 : memref<16x128xi32, #tpu.memory_space<hbm>>) dst(%dma_wait3A_154 : memref<16x128xi32, #tpu.memory_space<vmem>>)
        tpu.yield
      }) : () -> ()
      %run_scoped3A_77 = arith.constant 1 : i32
      "tpu.region"() ({
        %run_scoped3A_135 = tpu.sem_alloc : memref<!tpu.dma_semaphore, #tpu.memory_space<semaphore_mem>>
        %dma_start3A = arith.constant 0 : i32
        %dma_start3A_136 = arith.constant 0 : i32
        %dma_start3A_137 = tpu.memref_slice %arg7[%dma_start3A, %dma_start3A_136] : memref<16x128xi32, #tpu.memory_space<vmem>> -> memref<16x128xi32, #tpu.memory_space<vmem>>
        %dma_start3A_138 = arith.constant 0 : i32
        %dma_start3A_139 = tpu.memref_slice %arg3[%run_scoped3A_77, %add3A_75, %dma_start3A_138] : memref<2x6250x128xi32, #tpu.memory_space<hbm>> -> memref<1x16x128xi32, #tpu.memory_space<hbm>>
        %dma_start3A_140 = tpu.memref_squeeze %dma_start3A_139 : memref<1x16x128xi32, #tpu.memory_space<hbm>> -> memref<16x128xi32, #tpu.memory_space<hbm>>
        %dma_start3A_141 = arith.constant 0 : i32
        %dma_start3A_142 = arith.constant 0 : i32
        %dma_start3A_143 = tpu.memref_slice %arg7[%dma_start3A_141, %dma_start3A_142] : memref<16x128xi32, #tpu.memory_space<vmem>> -> memref<16x128xi32, #tpu.memory_space<vmem>>
        %dma_start3A_144 = arith.constant 0 : i32
        %dma_start3A_145 = tpu.memref_slice %arg3[%run_scoped3A_77, %add3A_75, %dma_start3A_144] : memref<2x6250x128xi32, #tpu.memory_space<hbm>> -> memref<1x16x128xi32, #tpu.memory_space<hbm>>
        %dma_start3A_146 = tpu.memref_squeeze %dma_start3A_145 : memref<1x16x128xi32, #tpu.memory_space<hbm>> -> memref<16x128xi32, #tpu.memory_space<hbm>>
        tpu.enqueue_dma source(%dma_start3A_146 : memref<16x128xi32, #tpu.memory_space<hbm>>) target(%dma_start3A_143 : memref<16x128xi32, #tpu.memory_space<vmem>>) target_semaphore(%run_scoped3A_135 : memref<!tpu.dma_semaphore, #tpu.memory_space<semaphore_mem>>)
        %dma_wait3A = arith.constant 0 : i32
        %dma_wait3A_147 = arith.constant 0 : i32
        %dma_wait3A_148 = tpu.memref_slice %arg7[%dma_wait3A, %dma_wait3A_147] : memref<16x128xi32, #tpu.memory_space<vmem>> -> memref<16x128xi32, #tpu.memory_space<vmem>>
        %dma_wait3A_149 = arith.constant 0 : i32
        %dma_wait3A_150 = tpu.memref_slice %arg3[%run_scoped3A_77, %add3A_75, %dma_wait3A_149] : memref<2x6250x128xi32, #tpu.memory_space<hbm>> -> memref<1x16x128xi32, #tpu.memory_space<hbm>>
        %dma_wait3A_151 = tpu.memref_squeeze %dma_wait3A_150 : memref<1x16x128xi32, #tpu.memory_space<hbm>> -> memref<16x128xi32, #tpu.memory_space<hbm>>
        %dma_wait3A_152 = arith.constant 0 : i32
        %dma_wait3A_153 = arith.constant 0 : i32
        %dma_wait3A_154 = tpu.memref_slice %arg7[%dma_wait3A_152, %dma_wait3A_153] : memref<16x128xi32, #tpu.memory_space<vmem>> -> memref<16x128xi32, #tpu.memory_space<vmem>>
        %dma_wait3A_155 = arith.constant 0 : i32
        %dma_wait3A_156 = tpu.memref_slice %arg3[%run_scoped3A_77, %add3A_75, %dma_wait3A_155] : memref<2x6250x128xi32, #tpu.memory_space<hbm>> -> memref<1x16x128xi32, #tpu.memory_space<hbm>>
        %dma_wait3A_157 = tpu.memref_squeeze %dma_wait3A_156 : memref<1x16x128xi32, #tpu.memory_space<hbm>> -> memref<16x128xi32, #tpu.memory_space<hbm>>
        tpu.wait_dma2 semaphore(%run_scoped3A_135 : memref<!tpu.dma_semaphore, #tpu.memory_space<semaphore_mem>>) src(%dma_wait3A_157 : memref<16x128xi32, #tpu.memory_space<hbm>>) dst(%dma_wait3A_154 : memref<16x128xi32, #tpu.memory_space<vmem>>)
        tpu.yield
      }) : () -> ()
      %scan3A_78 = arith.constant 0 : i32
      %scan3A_79 = arith.constant 0 : i32
      %scan3A_80 = arith.constant 128 : i32
      %scan3A_81 = arith.addi %scan3A_79, %scan3A_80 : i32
      %scan3A_82 = arith.constant 1 : i32
      %scan3A_83 = scf.for %scan3A_135 = %scan3A_79 to %scan3A_81 step %scan3A_82 iter_args(%scan3A_136 = %scan3A_78) -> (i32)  : i32 {
        %shift_right_arithmetic3A_137 = arith.constant 3 : i32
        %shift_right_arithmetic3A_138 = arith.shrsi %scan3A_135, %shift_right_arithmetic3A_137 : i32
        %and3A_139 = arith.constant 7 : i32
        %and3A_140 = arith.andi %scan3A_135, %and3A_139 : i32
        %mul3A_141 = arith.constant 16 : i32
        %mul3A_142 = arith.muli %and3A_140, %mul3A_141 : i32
        %get3A = arith.index_cast %shift_right_arithmetic3A_138 : i32 to index
        %get3A_143 = arith.index_cast %mul3A_142 : i32 to index
        %get3A_144 = tpu.vector_load %arg7[%get3A, %get3A_143] {strides = array<i32>} : memref<16x128xi32, #tpu.memory_space<vmem>>, vector<16xi32>,
        %get3A_145 = arith.index_cast %shift_right_arithmetic3A_138 : i32 to index
        %get3A_146 = arith.index_cast %mul3A_142 : i32 to index
        %get3A_147 = tpu.vector_load %arg6[%get3A_145, %get3A_146] {strides = array<i32>} : memref<16x128xi32, #tpu.memory_space<vmem>>, vector<16xi32>,
        %ge3A = vector.broadcast %mul3A_0 : i32 to vector<16xi32>
        %ge3A_148 = arith.cmpi sge, %get3A_144, %ge3A : vector<16xi32>
        %add3A_149 = arith.constant 25000 : i32
        %add3A_150 = arith.addi %mul3A_0, %add3A_149 : i32
        %lt3A_151 = vector.broadcast %add3A_150 : i32 to vector<16xi32>
        %lt3A_152 = arith.cmpi slt, %get3A_144, %lt3A_151 : vector<16xi32>
        %and3A_153 = arith.andi %ge3A_148, %lt3A_152 : vector<16xi1>
        %convert_element_type3A_154 = arith.extui %and3A_153 : vector<16xi1> to vector<16xi32>
        %broadcast_in_dim3A = arith.constant true
        %broadcast_in_dim3A_155 = vector.broadcast %broadcast_in_dim3A : i1 to vector<16xi1>
        %masked_cumsum3A = tpu.scan <sum>, %convert_element_type3A_154 masked %broadcast_in_dim3A_155 : vector<16xi32>, vector<16xi1> -> vector<16xi32>
        %add3A_156 = vector.broadcast %scan3A_136 : i32 to vector<16xi32>
        %add3A_157 = arith.addi %add3A_156, %masked_cumsum3A : vector<16xi32>
        %sub3A_158 = arith.subi %add3A_157, %convert_element_type3A_154 : vector<16xi32>
        %iota3A = tpu.iota {dimensions = array<i32: 0>} : vector<16xi32>
        %add3A_159 = arith.constant 2048 : i32
        %add3A_160 = vector.broadcast %add3A_159 : i32 to vector<16xi32>
        %add3A_161 = arith.addi %add3A_160, %iota3A : vector<16xi32>
        %select_n3A = arith.select %and3A_153, %sub3A_158, %add3A_161 : vector<16xi1>, vector<16xi32>
        %sub3A_162 = vector.broadcast %mul3A_0 : i32 to vector<16xi32>
        %sub3A_163 = arith.subi %get3A_144, %sub3A_162 : vector<16xi32>
        tpu.vector_store_idx %arg9[%select_n3A], %sub3A_163 : memref<2064xi32, #tpu.memory_space<vmem>>[vector<16xi32>], vector<16xi32>,
        tpu.vector_store_idx %arg8[%select_n3A], %get3A_147 : memref<2064xi32, #tpu.memory_space<vmem>>[vector<16xi32>], vector<16xi32>,
        %all_reduce_population_count3A = tpu.all_reduce %and3A_153 {dim = 0 : i64, kind = #tpu.reduction_kind<sum>} : vector<16xi1> -> vector<16xi32>
        %slice3A = vector.extract_strided_slice %all_reduce_population_count3A {offsets = [0], sizes = [1], strides = [1]} : vector<16xi32> to vector<1xi32>
        %squeeze3A = vector.extract %slice3A[0] : i32 from vector<1xi32>
        %add3A_164 = arith.addi %scan3A_136, %squeeze3A : i32
        scf.yield %add3A_164 : i32
      }
      %scan3A_84 = arith.constant 128 : i32
      %add3A_85 = arith.constant 128 : i32
      %add3A_86 = arith.addi %scan3A_83, %add3A_85 : i32
      %sub3A_87 = arith.constant 1 : i32
      %sub3A_88 = arith.subi %add3A_86, %sub3A_87 : i32
      %shift_right_arithmetic3A_89 = arith.constant 7 : i32
      %shift_right_arithmetic3A_90 = arith.shrsi %sub3A_88, %shift_right_arithmetic3A_89 : i32
      %shift_right_arithmetic3A_91 = arith.constant 4 : i32
      %shift_right_arithmetic3A_92 = arith.shrsi %scan3A_83, %shift_right_arithmetic3A_91 : i32
      %mul3A_93 = arith.constant 128 : i32
      %mul3A_94 = arith.muli %shift_right_arithmetic3A_90, %mul3A_93 : i32
      %shift_right_arithmetic3A_95 = arith.constant 4 : i32
      %shift_right_arithmetic3A_96 = arith.shrsi %mul3A_94, %shift_right_arithmetic3A_95 : i32
      %while3A_97 = arith.constant 0 : i32
      %while3A_98 = arith.subi %shift_right_arithmetic3A_96, %shift_right_arithmetic3A_92 : i32
      %while3A_99 = arith.addi %shift_right_arithmetic3A_92, %while3A_98 : i32
      %while3A_100 = arith.constant 1 : i32
      %while3A_101 = arith.divsi %while3A_98, %while3A_100 : i32
      %while3A_102 = arith.muli %while3A_101, %while3A_100 : i32
      %while3A_103 = arith.addi %shift_right_arithmetic3A_92, %while3A_102 : i32
      %while3A_104 = arith.constant 1 : i32
      scf.for %while3A_135 = %shift_right_arithmetic3A_92 to %while3A_103 step %while3A_104  : i32 {
        %mul3A_136 = arith.constant 16 : i32
        %mul3A_137 = arith.muli %while3A_135, %mul3A_136 : i32
        %iota3A = tpu.iota {dimensions = array<i32: 0>} : vector<16xi32>
        %add3A_138 = vector.broadcast %mul3A_137 : i32 to vector<16xi32>
        %add3A_139 = arith.addi %add3A_138, %iota3A : vector<16xi32>
        %ge3A = vector.broadcast %scan3A_83 : i32 to vector<16xi32>
        %ge3A_140 = arith.cmpi sge, %add3A_139, %ge3A : vector<16xi32>
        %mul3A_141 = arith.constant 16 : i32
        %mul3A_142 = arith.muli %while3A_135, %mul3A_141 : i32
        %get3A = arith.index_cast %mul3A_142 : i32 to index
        %get3A_143 = tpu.vector_load %arg9[%get3A] {strides = array<i32>} : memref<2064xi32, #tpu.memory_space<vmem>>, vector<16xi32>,
        %mul3A_144 = arith.constant 16 : i32
        %mul3A_145 = arith.muli %while3A_135, %mul3A_144 : i32
        %get3A_146 = arith.index_cast %mul3A_145 : i32 to index
        %get3A_147 = tpu.vector_load %arg8[%get3A_146] {strides = array<i32>} : memref<2064xi32, #tpu.memory_space<vmem>>, vector<16xi32>,
        %and3A_148 = arith.constant 511 : i32
        %and3A_149 = vector.broadcast %and3A_148 : i32 to vector<16xi32>
        %and3A_150 = arith.andi %add3A_139, %and3A_149 : vector<16xi32>
        %add3A_151 = arith.constant 25000 : i32
        %add3A_152 = vector.broadcast %add3A_151 : i32 to vector<16xi32>
        %add3A_153 = arith.addi %add3A_152, %and3A_150 : vector<16xi32>
        %select_n3A = arith.select %ge3A_140, %add3A_153, %get3A_143 : vector<16xi1>, vector<16xi32>
        %mul3A_154 = arith.constant 16 : i32
        %mul3A_155 = arith.muli %while3A_135, %mul3A_154 : i32
        %swap3A = arith.index_cast %mul3A_155 : i32 to index
        %swap3A_156 = tpu.vector_load %arg9[%swap3A] {strides = array<i32>} : memref<2064xi32, #tpu.memory_space<vmem>>, vector<16xi32>,
        tpu.vector_store %arg9[%swap3A], %select_n3A {strides = array<i32>} : memref<2064xi32, #tpu.memory_space<vmem>>, vector<16xi32>,
        %select_n3A_157 = arith.select %ge3A_140, %add3A_139, %get3A_147 : vector<16xi1>, vector<16xi32>
        %mul3A_158 = arith.constant 16 : i32
        %mul3A_159 = arith.muli %while3A_135, %mul3A_158 : i32
        %swap3A_160 = arith.index_cast %mul3A_159 : i32 to index
        %swap3A_161 = tpu.vector_load %arg8[%swap3A_160] {strides = array<i32>} : memref<2064xi32, #tpu.memory_space<vmem>>, vector<16xi32>,
        tpu.vector_store %arg8[%swap3A_160], %select_n3A_157 {strides = array<i32>} : memref<2064xi32, #tpu.memory_space<vmem>>, vector<16xi32>,
      }
      %while3A_105 = arith.constant 1 : i32
      scf.for %while3A_135 = %while3A_103 to %while3A_99 step %while3A_105  : i32 {
        %mul3A_136 = arith.constant 16 : i32
        %mul3A_137 = arith.muli %while3A_135, %mul3A_136 : i32
        %iota3A = tpu.iota {dimensions = array<i32: 0>} : vector<16xi32>
        %add3A_138 = vector.broadcast %mul3A_137 : i32 to vector<16xi32>
        %add3A_139 = arith.addi %add3A_138, %iota3A : vector<16xi32>
        %ge3A = vector.broadcast %scan3A_83 : i32 to vector<16xi32>
        %ge3A_140 = arith.cmpi sge, %add3A_139, %ge3A : vector<16xi32>
        %mul3A_141 = arith.constant 16 : i32
        %mul3A_142 = arith.muli %while3A_135, %mul3A_141 : i32
        %get3A = arith.index_cast %mul3A_142 : i32 to index
        %get3A_143 = tpu.vector_load %arg9[%get3A] {strides = array<i32>} : memref<2064xi32, #tpu.memory_space<vmem>>, vector<16xi32>,
        %mul3A_144 = arith.constant 16 : i32
        %mul3A_145 = arith.muli %while3A_135, %mul3A_144 : i32
        %get3A_146 = arith.index_cast %mul3A_145 : i32 to index
        %get3A_147 = tpu.vector_load %arg8[%get3A_146] {strides = array<i32>} : memref<2064xi32, #tpu.memory_space<vmem>>, vector<16xi32>,
        %and3A_148 = arith.constant 511 : i32
        %and3A_149 = vector.broadcast %and3A_148 : i32 to vector<16xi32>
        %and3A_150 = arith.andi %add3A_139, %and3A_149 : vector<16xi32>
        %add3A_151 = arith.constant 25000 : i32
        %add3A_152 = vector.broadcast %add3A_151 : i32 to vector<16xi32>
        %add3A_153 = arith.addi %add3A_152, %and3A_150 : vector<16xi32>
        %select_n3A = arith.select %ge3A_140, %add3A_153, %get3A_143 : vector<16xi1>, vector<16xi32>
        %mul3A_154 = arith.constant 16 : i32
        %mul3A_155 = arith.muli %while3A_135, %mul3A_154 : i32
        %swap3A = arith.index_cast %mul3A_155 : i32 to index
        %swap3A_156 = tpu.vector_load %arg9[%swap3A] {strides = array<i32>} : memref<2064xi32, #tpu.memory_space<vmem>>, vector<16xi32>,
        tpu.vector_store %arg9[%swap3A], %select_n3A {strides = array<i32>} : memref<2064xi32, #tpu.memory_space<vmem>>, vector<16xi32>,
        %select_n3A_157 = arith.select %ge3A_140, %add3A_139, %get3A_147 : vector<16xi1>, vector<16xi32>
        %mul3A_158 = arith.constant 16 : i32
        %mul3A_159 = arith.muli %while3A_135, %mul3A_158 : i32
        %swap3A_160 = arith.index_cast %mul3A_159 : i32 to index
        %swap3A_161 = tpu.vector_load %arg8[%swap3A_160] {strides = array<i32>} : memref<2064xi32, #tpu.memory_space<vmem>>, vector<16xi32>,
        tpu.vector_store %arg8[%swap3A_160], %select_n3A_157 {strides = array<i32>} : memref<2064xi32, #tpu.memory_space<vmem>>, vector<16xi32>,
      }
      %add3A_106 = arith.constant 1 : i32
      %add3A_107 = arith.addi %shift_right_arithmetic3A_90, %add3A_106 : i32
      %shift_right_arithmetic3A_108 = arith.constant 1 : i32
      %shift_right_arithmetic3A_109 = arith.shrsi %add3A_107, %shift_right_arithmetic3A_108 : i32
      %while3A_110 = arith.constant 0 : i32
      %while3A_111 = arith.constant 0 : i32
      %while3A_112 = arith.subi %shift_right_arithmetic3A_109, %while3A_111 : i32
      %while3A_113 = arith.addi %while3A_111, %while3A_112 : i32
      %while3A_114 = arith.constant 1 : i32
      %while3A_115 = arith.divsi %while3A_112, %while3A_114 : i32
      %while3A_116 = arith.muli %while3A_115, %while3A_114 : i32
      %while3A_117 = arith.addi %while3A_111, %while3A_116 : i32
      %while3A_118 = arith.constant 1 : i32
      scf.for %while3A_135 = %while3A_111 to %while3A_117 step %while3A_118  : i32 {
        %mul3A_136 = arith.constant 2 : i32
        %mul3A_137 = arith.muli %mul3A_136, %while3A_135 : i32
        %add3A_138 = arith.constant 1 : i32
        %add3A_139 = arith.addi %mul3A_137, %add3A_138 : i32
        %gt3A_140 = arith.constant 0 : i32
        %gt3A_141 = arith.cmpi sgt, %while3A_135, %gt3A_140 : i32
        %convert_element_type3A_142 = arith.extui %gt3A_141 : i1 to i32
        %cond3A_143 = arith.constant 0 : i32
        %cond3A_144 = arith.cmpi ne, %convert_element_type3A_142, %cond3A_143 : i32
        scf.if %cond3A_144 {
          %dma_wait3A_173 = arith.constant 0 : i32
          %dma_wait3A_174 = tpu.memref_slice %arg9[%dma_wait3A_173] : memref<2064xi32, #tpu.memory_space<vmem>> -> memref<128xi32, #tpu.memory_space<vmem>>
          %dma_wait3A_175 = arith.constant 0 : i32
          %dma_wait3A_176 = arith.constant 0 : i32
          %dma_wait3A_177 = tpu.memref_slice %arg16[%dma_wait3A_175, %dma_wait3A_176] : memref<25600x64xf32, #tpu.memory_space<vmem_shared>> -> memref<25600x64xf32, #tpu.memory_space<vmem_shared>>
          tpu.wait_indirect_dma semaphore(%arg14 : memref<!tpu.dma_semaphore, #tpu.memory_space<semaphore_mem>>) src(%arg10 : memref<128x64xf32, #tpu.memory_space<vmem>>) dst(%dma_wait3A_177 : memref<25600x64xf32, #tpu.memory_space<vmem_shared>>)
        } else {
        }
        %mul3A_145 = arith.constant 128 : i32
        %mul3A_146 = arith.muli %mul3A_137, %mul3A_145 : i32
        %dma_start3A = tpu.memref_slice %arg8[%mul3A_146] : memref<2064xi32, #tpu.memory_space<vmem>> -> memref<128xi32, #tpu.memory_space<vmem>>
        %dma_start3A_147 = arith.constant 0 : i32
        %dma_start3A_148 = arith.constant 0 : i32
        %dma_start3A_149 = tpu.memref_slice %arg2[%dma_start3A_147, %dma_start3A_148] : memref<50000x64xf32, #tpu.memory_space<hbm>> -> memref<50000x64xf32, #tpu.memory_space<hbm>>
        tpu.enqueue_indirect_dma source(%dma_start3A_149 : memref<50000x64xf32, #tpu.memory_space<hbm>>) target(%arg10 : memref<128x64xf32, #tpu.memory_space<vmem>>) offsets(%dma_start3A : memref<128xi32, #tpu.memory_space<vmem>>) semaphore(%arg12 : memref<!tpu.dma_semaphore, #tpu.memory_space<semaphore_mem>>)
        %gt3A_150 = arith.constant 0 : i32
        %gt3A_151 = arith.cmpi sgt, %while3A_135, %gt3A_150 : i32
        %convert_element_type3A_152 = arith.extui %gt3A_151 : i1 to i32
        %cond3A_153 = arith.constant 0 : i32
        %cond3A_154 = arith.cmpi ne, %convert_element_type3A_152, %cond3A_153 : i32
        scf.if %cond3A_154 {
          %dma_wait3A_173 = arith.constant 0 : i32
          %dma_wait3A_174 = tpu.memref_slice %arg9[%dma_wait3A_173] : memref<2064xi32, #tpu.memory_space<vmem>> -> memref<128xi32, #tpu.memory_space<vmem>>
          %dma_wait3A_175 = arith.constant 0 : i32
          %dma_wait3A_176 = arith.constant 0 : i32
          %dma_wait3A_177 = tpu.memref_slice %arg16[%dma_wait3A_175, %dma_wait3A_176] : memref<25600x64xf32, #tpu.memory_space<vmem_shared>> -> memref<25600x64xf32, #tpu.memory_space<vmem_shared>>
          tpu.wait_indirect_dma semaphore(%arg15 : memref<!tpu.dma_semaphore, #tpu.memory_space<semaphore_mem>>) src(%arg11 : memref<128x64xf32, #tpu.memory_space<vmem>>) dst(%dma_wait3A_177 : memref<25600x64xf32, #tpu.memory_space<vmem_shared>>)
        } else {
        }
        %lt3A_155 = arith.cmpi slt, %add3A_139, %shift_right_arithmetic3A_90 : i32
        %convert_element_type3A_156 = arith.extui %lt3A_155 : i1 to i32
        %cond3A_157 = arith.constant 0 : i32
        %cond3A_158 = arith.cmpi ne, %convert_element_type3A_156, %cond3A_157 : i32
        scf.if %cond3A_158 {
          %mul3A_173 = arith.constant 128 : i32
          %mul3A_174 = arith.muli %add3A_139, %mul3A_173 : i32
          %dma_start3A_175 = tpu.memref_slice %arg8[%mul3A_174] : memref<2064xi32, #tpu.memory_space<vmem>> -> memref<128xi32, #tpu.memory_space<vmem>>
          %dma_start3A_176 = arith.constant 0 : i32
          %dma_start3A_177 = arith.constant 0 : i32
          %dma_start3A_178 = tpu.memref_slice %arg2[%dma_start3A_176, %dma_start3A_177] : memref<50000x64xf32, #tpu.memory_space<hbm>> -> memref<50000x64xf32, #tpu.memory_space<hbm>>
          tpu.enqueue_indirect_dma source(%dma_start3A_178 : memref<50000x64xf32, #tpu.memory_space<hbm>>) target(%arg11 : memref<128x64xf32, #tpu.memory_space<vmem>>) offsets(%dma_start3A_175 : memref<128xi32, #tpu.memory_space<vmem>>) semaphore(%arg13 : memref<!tpu.dma_semaphore, #tpu.memory_space<semaphore_mem>>)
        } else {
        }
        %dma_wait3A = arith.constant 0 : i32
        %dma_wait3A_159 = tpu.memref_slice %arg8[%dma_wait3A] : memref<2064xi32, #tpu.memory_space<vmem>> -> memref<128xi32, #tpu.memory_space<vmem>>
        %dma_wait3A_160 = arith.constant 0 : i32
        %dma_wait3A_161 = arith.constant 0 : i32
        %dma_wait3A_162 = tpu.memref_slice %arg2[%dma_wait3A_160, %dma_wait3A_161] : memref<50000x64xf32, #tpu.memory_space<hbm>> -> memref<50000x64xf32, #tpu.memory_space<hbm>>
        tpu.wait_indirect_dma semaphore(%arg12 : memref<!tpu.dma_semaphore, #tpu.memory_space<semaphore_mem>>) src(%dma_wait3A_162 : memref<50000x64xf32, #tpu.memory_space<hbm>>) dst(%arg10 : memref<128x64xf32, #tpu.memory_space<vmem>>)
        %mul3A_163 = arith.constant 128 : i32
        %mul3A_164 = arith.muli %mul3A_137, %mul3A_163 : i32
        %dma_start3A_165 = tpu.memref_slice %arg9[%mul3A_164] : memref<2064xi32, #tpu.memory_space<vmem>> -> memref<128xi32, #tpu.memory_space<vmem>>
        %dma_start3A_166 = arith.constant 0 : i32
        %dma_start3A_167 = arith.constant 0 : i32
        %dma_start3A_168 = tpu.memref_slice %arg16[%dma_start3A_166, %dma_start3A_167] : memref<25600x64xf32, #tpu.memory_space<vmem_shared>> -> memref<25600x64xf32, #tpu.memory_space<vmem_shared>>
        tpu.enqueue_indirect_dma source(%arg10 : memref<128x64xf32, #tpu.memory_space<vmem>>) target(%dma_start3A_168 : memref<25600x64xf32, #tpu.memory_space<vmem_shared>>) offsets(%dma_start3A_165 : memref<128xi32, #tpu.memory_space<vmem>>) semaphore(%arg14 : memref<!tpu.dma_semaphore, #tpu.memory_space<semaphore_mem>>) {add = true}
        %lt3A_169 = arith.cmpi slt, %add3A_139, %shift_right_arithmetic3A_90 : i32
        %convert_element_type3A_170 = arith.extui %lt3A_169 : i1 to i32
        %cond3A_171 = arith.constant 0 : i32
        %cond3A_172 = arith.cmpi ne, %convert_element_type3A_170, %cond3A_171 : i32
        scf.if %cond3A_172 {
          %dma_wait3A_173 = arith.constant 0 : i32
          %dma_wait3A_174 = tpu.memref_slice %arg8[%dma_wait3A_173] : memref<2064xi32, #tpu.memory_space<vmem>> -> memref<128xi32, #tpu.memory_space<vmem>>
          %dma_wait3A_175 = arith.constant 0 : i32
          %dma_wait3A_176 = arith.constant 0 : i32
          %dma_wait3A_177 = tpu.memref_slice %arg2[%dma_wait3A_175, %dma_wait3A_176] : memref<50000x64xf32, #tpu.memory_space<hbm>> -> memref<50000x64xf32, #tpu.memory_space<hbm>>
          tpu.wait_indirect_dma semaphore(%arg13 : memref<!tpu.dma_semaphore, #tpu.memory_space<semaphore_mem>>) src(%dma_wait3A_177 : memref<50000x64xf32, #tpu.memory_space<hbm>>) dst(%arg11 : memref<128x64xf32, #tpu.memory_space<vmem>>)
          %mul3A_178 = arith.constant 128 : i32
          %mul3A_179 = arith.muli %add3A_139, %mul3A_178 : i32
          %dma_start3A_180 = tpu.memref_slice %arg9[%mul3A_179] : memref<2064xi32, #tpu.memory_space<vmem>> -> memref<128xi32, #tpu.memory_space<vmem>>
          %dma_start3A_181 = arith.constant 0 : i32
          %dma_start3A_182 = arith.constant 0 : i32
          %dma_start3A_183 = tpu.memref_slice %arg16[%dma_start3A_181, %dma_start3A_182] : memref<25600x64xf32, #tpu.memory_space<vmem_shared>> -> memref<25600x64xf32, #tpu.memory_space<vmem_shared>>
          tpu.enqueue_indirect_dma source(%arg11 : memref<128x64xf32, #tpu.memory_space<vmem>>) target(%dma_start3A_183 : memref<25600x64xf32, #tpu.memory_space<vmem_shared>>) offsets(%dma_start3A_180 : memref<128xi32, #tpu.memory_space<vmem>>) semaphore(%arg15 : memref<!tpu.dma_semaphore, #tpu.memory_space<semaphore_mem>>) {add = true}
        } else {
        }
      }
      %while3A_119 = arith.constant 1 : i32
      scf.for %while3A_135 = %while3A_117 to %while3A_113 step %while3A_119  : i32 {
        %mul3A_136 = arith.constant 2 : i32
        %mul3A_137 = arith.muli %mul3A_136, %while3A_135 : i32
        %add3A_138 = arith.constant 1 : i32
        %add3A_139 = arith.addi %mul3A_137, %add3A_138 : i32
        %gt3A_140 = arith.constant 0 : i32
        %gt3A_141 = arith.cmpi sgt, %while3A_135, %gt3A_140 : i32
        %convert_element_type3A_142 = arith.extui %gt3A_141 : i1 to i32
        %cond3A_143 = arith.constant 0 : i32
        %cond3A_144 = arith.cmpi ne, %convert_element_type3A_142, %cond3A_143 : i32
        scf.if %cond3A_144 {
          %dma_wait3A_173 = arith.constant 0 : i32
          %dma_wait3A_174 = tpu.memref_slice %arg9[%dma_wait3A_173] : memref<2064xi32, #tpu.memory_space<vmem>> -> memref<128xi32, #tpu.memory_space<vmem>>
          %dma_wait3A_175 = arith.constant 0 : i32
          %dma_wait3A_176 = arith.constant 0 : i32
          %dma_wait3A_177 = tpu.memref_slice %arg16[%dma_wait3A_175, %dma_wait3A_176] : memref<25600x64xf32, #tpu.memory_space<vmem_shared>> -> memref<25600x64xf32, #tpu.memory_space<vmem_shared>>
          tpu.wait_indirect_dma semaphore(%arg14 : memref<!tpu.dma_semaphore, #tpu.memory_space<semaphore_mem>>) src(%arg10 : memref<128x64xf32, #tpu.memory_space<vmem>>) dst(%dma_wait3A_177 : memref<25600x64xf32, #tpu.memory_space<vmem_shared>>)
        } else {
        }
        %mul3A_145 = arith.constant 128 : i32
        %mul3A_146 = arith.muli %mul3A_137, %mul3A_145 : i32
        %dma_start3A = tpu.memref_slice %arg8[%mul3A_146] : memref<2064xi32, #tpu.memory_space<vmem>> -> memref<128xi32, #tpu.memory_space<vmem>>
        %dma_start3A_147 = arith.constant 0 : i32
        %dma_start3A_148 = arith.constant 0 : i32
        %dma_start3A_149 = tpu.memref_slice %arg2[%dma_start3A_147, %dma_start3A_148] : memref<50000x64xf32, #tpu.memory_space<hbm>> -> memref<50000x64xf32, #tpu.memory_space<hbm>>
        tpu.enqueue_indirect_dma source(%dma_start3A_149 : memref<50000x64xf32, #tpu.memory_space<hbm>>) target(%arg10 : memref<128x64xf32, #tpu.memory_space<vmem>>) offsets(%dma_start3A : memref<128xi32, #tpu.memory_space<vmem>>) semaphore(%arg12 : memref<!tpu.dma_semaphore, #tpu.memory_space<semaphore_mem>>)
        %gt3A_150 = arith.constant 0 : i32
        %gt3A_151 = arith.cmpi sgt, %while3A_135, %gt3A_150 : i32
        %convert_element_type3A_152 = arith.extui %gt3A_151 : i1 to i32
        %cond3A_153 = arith.constant 0 : i32
        %cond3A_154 = arith.cmpi ne, %convert_element_type3A_152, %cond3A_153 : i32
        scf.if %cond3A_154 {
          %dma_wait3A_173 = arith.constant 0 : i32
          %dma_wait3A_174 = tpu.memref_slice %arg9[%dma_wait3A_173] : memref<2064xi32, #tpu.memory_space<vmem>> -> memref<128xi32, #tpu.memory_space<vmem>>
          %dma_wait3A_175 = arith.constant 0 : i32
          %dma_wait3A_176 = arith.constant 0 : i32
          %dma_wait3A_177 = tpu.memref_slice %arg16[%dma_wait3A_175, %dma_wait3A_176] : memref<25600x64xf32, #tpu.memory_space<vmem_shared>> -> memref<25600x64xf32, #tpu.memory_space<vmem_shared>>
          tpu.wait_indirect_dma semaphore(%arg15 : memref<!tpu.dma_semaphore, #tpu.memory_space<semaphore_mem>>) src(%arg11 : memref<128x64xf32, #tpu.memory_space<vmem>>) dst(%dma_wait3A_177 : memref<25600x64xf32, #tpu.memory_space<vmem_shared>>)
        } else {
        }
        %lt3A_155 = arith.cmpi slt, %add3A_139, %shift_right_arithmetic3A_90 : i32
        %convert_element_type3A_156 = arith.extui %lt3A_155 : i1 to i32
        %cond3A_157 = arith.constant 0 : i32
        %cond3A_158 = arith.cmpi ne, %convert_element_type3A_156, %cond3A_157 : i32
        scf.if %cond3A_158 {
          %mul3A_173 = arith.constant 128 : i32
          %mul3A_174 = arith.muli %add3A_139, %mul3A_173 : i32
          %dma_start3A_175 = tpu.memref_slice %arg8[%mul3A_174] : memref<2064xi32, #tpu.memory_space<vmem>> -> memref<128xi32, #tpu.memory_space<vmem>>
          %dma_start3A_176 = arith.constant 0 : i32
          %dma_start3A_177 = arith.constant 0 : i32
          %dma_start3A_178 = tpu.memref_slice %arg2[%dma_start3A_176, %dma_start3A_177] : memref<50000x64xf32, #tpu.memory_space<hbm>> -> memref<50000x64xf32, #tpu.memory_space<hbm>>
          tpu.enqueue_indirect_dma source(%dma_start3A_178 : memref<50000x64xf32, #tpu.memory_space<hbm>>) target(%arg11 : memref<128x64xf32, #tpu.memory_space<vmem>>) offsets(%dma_start3A_175 : memref<128xi32, #tpu.memory_space<vmem>>) semaphore(%arg13 : memref<!tpu.dma_semaphore, #tpu.memory_space<semaphore_mem>>)
        } else {
        }
        %dma_wait3A = arith.constant 0 : i32
        %dma_wait3A_159 = tpu.memref_slice %arg8[%dma_wait3A] : memref<2064xi32, #tpu.memory_space<vmem>> -> memref<128xi32, #tpu.memory_space<vmem>>
        %dma_wait3A_160 = arith.constant 0 : i32
        %dma_wait3A_161 = arith.constant 0 : i32
        %dma_wait3A_162 = tpu.memref_slice %arg2[%dma_wait3A_160, %dma_wait3A_161] : memref<50000x64xf32, #tpu.memory_space<hbm>> -> memref<50000x64xf32, #tpu.memory_space<hbm>>
        tpu.wait_indirect_dma semaphore(%arg12 : memref<!tpu.dma_semaphore, #tpu.memory_space<semaphore_mem>>) src(%dma_wait3A_162 : memref<50000x64xf32, #tpu.memory_space<hbm>>) dst(%arg10 : memref<128x64xf32, #tpu.memory_space<vmem>>)
        %mul3A_163 = arith.constant 128 : i32
        %mul3A_164 = arith.muli %mul3A_137, %mul3A_163 : i32
        %dma_start3A_165 = tpu.memref_slice %arg9[%mul3A_164] : memref<2064xi32, #tpu.memory_space<vmem>> -> memref<128xi32, #tpu.memory_space<vmem>>
        %dma_start3A_166 = arith.constant 0 : i32
        %dma_start3A_167 = arith.constant 0 : i32
        %dma_start3A_168 = tpu.memref_slice %arg16[%dma_start3A_166, %dma_start3A_167] : memref<25600x64xf32, #tpu.memory_space<vmem_shared>> -> memref<25600x64xf32, #tpu.memory_space<vmem_shared>>
        tpu.enqueue_indirect_dma source(%arg10 : memref<128x64xf32, #tpu.memory_space<vmem>>) target(%dma_start3A_168 : memref<25600x64xf32, #tpu.memory_space<vmem_shared>>) offsets(%dma_start3A_165 : memref<128xi32, #tpu.memory_space<vmem>>) semaphore(%arg14 : memref<!tpu.dma_semaphore, #tpu.memory_space<semaphore_mem>>) {add = true}
        %lt3A_169 = arith.cmpi slt, %add3A_139, %shift_right_arithmetic3A_90 : i32
        %convert_element_type3A_170 = arith.extui %lt3A_169 : i1 to i32
        %cond3A_171 = arith.constant 0 : i32
        %cond3A_172 = arith.cmpi ne, %convert_element_type3A_170, %cond3A_171 : i32
        scf.if %cond3A_172 {
          %dma_wait3A_173 = arith.constant 0 : i32
          %dma_wait3A_174 = tpu.memref_slice %arg8[%dma_wait3A_173] : memref<2064xi32, #tpu.memory_space<vmem>> -> memref<128xi32, #tpu.memory_space<vmem>>
          %dma_wait3A_175 = arith.constant 0 : i32
          %dma_wait3A_176 = arith.constant 0 : i32
          %dma_wait3A_177 = tpu.memref_slice %arg2[%dma_wait3A_175, %dma_wait3A_176] : memref<50000x64xf32, #tpu.memory_space<hbm>> -> memref<50000x64xf32, #tpu.memory_space<hbm>>
          tpu.wait_indirect_dma semaphore(%arg13 : memref<!tpu.dma_semaphore, #tpu.memory_space<semaphore_mem>>) src(%dma_wait3A_177 : memref<50000x64xf32, #tpu.memory_space<hbm>>) dst(%arg11 : memref<128x64xf32, #tpu.memory_space<vmem>>)
          %mul3A_178 = arith.constant 128 : i32
          %mul3A_179 = arith.muli %add3A_139, %mul3A_178 : i32
          %dma_start3A_180 = tpu.memref_slice %arg9[%mul3A_179] : memref<2064xi32, #tpu.memory_space<vmem>> -> memref<128xi32, #tpu.memory_space<vmem>>
          %dma_start3A_181 = arith.constant 0 : i32
          %dma_start3A_182 = arith.constant 0 : i32
          %dma_start3A_183 = tpu.memref_slice %arg16[%dma_start3A_181, %dma_start3A_182] : memref<25600x64xf32, #tpu.memory_space<vmem_shared>> -> memref<25600x64xf32, #tpu.memory_space<vmem_shared>>
          tpu.enqueue_indirect_dma source(%arg11 : memref<128x64xf32, #tpu.memory_space<vmem>>) target(%dma_start3A_183 : memref<25600x64xf32, #tpu.memory_space<vmem_shared>>) offsets(%dma_start3A_180 : memref<128xi32, #tpu.memory_space<vmem>>) semaphore(%arg15 : memref<!tpu.dma_semaphore, #tpu.memory_space<semaphore_mem>>) {add = true}
        } else {
        }
      }
      %gt3A_120 = arith.constant 0 : i32
      %gt3A_121 = arith.cmpi sgt, %shift_right_arithmetic3A_90, %gt3A_120 : i32
      %convert_element_type3A_122 = arith.extui %gt3A_121 : i1 to i32
      %cond3A_123 = arith.constant 0 : i32
      %cond3A_124 = arith.cmpi ne, %convert_element_type3A_122, %cond3A_123 : i32
      scf.if %cond3A_124 {
        %dma_wait3A = arith.constant 0 : i32
        %dma_wait3A_135 = tpu.memref_slice %arg9[%dma_wait3A] : memref<2064xi32, #tpu.memory_space<vmem>> -> memref<128xi32, #tpu.memory_space<vmem>>
        %dma_wait3A_136 = arith.constant 0 : i32
        %dma_wait3A_137 = arith.constant 0 : i32
        %dma_wait3A_138 = tpu.memref_slice %arg16[%dma_wait3A_136, %dma_wait3A_137] : memref<25600x64xf32, #tpu.memory_space<vmem_shared>> -> memref<25600x64xf32, #tpu.memory_space<vmem_shared>>
        tpu.wait_indirect_dma semaphore(%arg14 : memref<!tpu.dma_semaphore, #tpu.memory_space<semaphore_mem>>) src(%arg10 : memref<128x64xf32, #tpu.memory_space<vmem>>) dst(%dma_wait3A_138 : memref<25600x64xf32, #tpu.memory_space<vmem_shared>>)
      } else {
      }
      %gt3A_125 = arith.constant 0 : i32
      %gt3A_126 = arith.cmpi sgt, %shift_right_arithmetic3A_90, %gt3A_125 : i32
      %and3A_127 = arith.constant 1 : i32
      %and3A_128 = arith.andi %shift_right_arithmetic3A_90, %and3A_127 : i32
      %eq3A_129 = arith.constant 0 : i32
      %eq3A_130 = arith.cmpi eq, %and3A_128, %eq3A_129 : i32
      %and3A_131 = arith.andi %gt3A_126, %eq3A_130 : i1
      %convert_element_type3A_132 = arith.extui %and3A_131 : i1 to i32
      %cond3A_133 = arith.constant 0 : i32
      %cond3A_134 = arith.cmpi ne, %convert_element_type3A_132, %cond3A_133 : i32
      scf.if %cond3A_134 {
        %dma_wait3A = arith.constant 0 : i32
        %dma_wait3A_135 = tpu.memref_slice %arg9[%dma_wait3A] : memref<2064xi32, #tpu.memory_space<vmem>> -> memref<128xi32, #tpu.memory_space<vmem>>
        %dma_wait3A_136 = arith.constant 0 : i32
        %dma_wait3A_137 = arith.constant 0 : i32
        %dma_wait3A_138 = tpu.memref_slice %arg16[%dma_wait3A_136, %dma_wait3A_137] : memref<25600x64xf32, #tpu.memory_space<vmem_shared>> -> memref<25600x64xf32, #tpu.memory_space<vmem_shared>>
        tpu.wait_indirect_dma semaphore(%arg15 : memref<!tpu.dma_semaphore, #tpu.memory_space<semaphore_mem>>) src(%arg11 : memref<128x64xf32, #tpu.memory_space<vmem>>) dst(%dma_wait3A_138 : memref<25600x64xf32, #tpu.memory_space<vmem_shared>>)
      } else {
      }
    }
    %scan3A_7 = arith.constant 24 : i32
    %mul3A_8 = arith.constant 390 : i32
    %mul3A_9 = arith.muli %arg1, %mul3A_8 : i32
    %add3A = arith.constant 384 : i32
    %add3A_10 = arith.addi %mul3A_9, %add3A : i32
    %run_scoped3A = arith.constant 0 : i32
    "tpu.region"() ({
      %run_scoped3A_70 = tpu.sem_alloc : memref<!tpu.dma_semaphore, #tpu.memory_space<semaphore_mem>>
      %dma_start3A = arith.constant 0 : i32
      %dma_start3A_71 = arith.constant 0 : i32
      %dma_start3A_72 = tpu.memref_slice %arg6[%dma_start3A, %dma_start3A_71] : memref<16x128xi32, #tpu.memory_space<vmem>> -> memref<6x128xi32, #tpu.memory_space<vmem>>
      %dma_start3A_73 = arith.constant 0 : i32
      %dma_start3A_74 = tpu.memref_slice %arg3[%run_scoped3A, %add3A_10, %dma_start3A_73] : memref<2x6250x128xi32, #tpu.memory_space<hbm>> -> memref<1x6x128xi32, #tpu.memory_space<hbm>>
      %dma_start3A_75 = tpu.memref_squeeze %dma_start3A_74 : memref<1x6x128xi32, #tpu.memory_space<hbm>> -> memref<6x128xi32, #tpu.memory_space<hbm>>
      %dma_start3A_76 = arith.constant 0 : i32
      %dma_start3A_77 = arith.constant 0 : i32
      %dma_start3A_78 = tpu.memref_slice %arg6[%dma_start3A_76, %dma_start3A_77] : memref<16x128xi32, #tpu.memory_space<vmem>> -> memref<6x128xi32, #tpu.memory_space<vmem>>
      %dma_start3A_79 = arith.constant 0 : i32
      %dma_start3A_80 = tpu.memref_slice %arg3[%run_scoped3A, %add3A_10, %dma_start3A_79] : memref<2x6250x128xi32, #tpu.memory_space<hbm>> -> memref<1x6x128xi32, #tpu.memory_space<hbm>>
      %dma_start3A_81 = tpu.memref_squeeze %dma_start3A_80 : memref<1x6x128xi32, #tpu.memory_space<hbm>> -> memref<6x128xi32, #tpu.memory_space<hbm>>
      tpu.enqueue_dma source(%dma_start3A_81 : memref<6x128xi32, #tpu.memory_space<hbm>>) target(%dma_start3A_78 : memref<6x128xi32, #tpu.memory_space<vmem>>) target_semaphore(%run_scoped3A_70 : memref<!tpu.dma_semaphore, #tpu.memory_space<semaphore_mem>>)
      %dma_wait3A = arith.constant 0 : i32
      %dma_wait3A_82 = arith.constant 0 : i32
      %dma_wait3A_83 = tpu.memref_slice %arg6[%dma_wait3A, %dma_wait3A_82] : memref<16x128xi32, #tpu.memory_space<vmem>> -> memref<6x128xi32, #tpu.memory_space<vmem>>
      %dma_wait3A_84 = arith.constant 0 : i32
      %dma_wait3A_85 = tpu.memref_slice %arg3[%run_scoped3A, %add3A_10, %dma_wait3A_84] : memref<2x6250x128xi32, #tpu.memory_space<hbm>> -> memref<1x6x128xi32, #tpu.memory_space<hbm>>
      %dma_wait3A_86 = tpu.memref_squeeze %dma_wait3A_85 : memref<1x6x128xi32, #tpu.memory_space<hbm>> -> memref<6x128xi32, #tpu.memory_space<hbm>>
      %dma_wait3A_87 = arith.constant 0 : i32
      %dma_wait3A_88 = arith.constant 0 : i32
      %dma_wait3A_89 = tpu.memref_slice %arg6[%dma_wait3A_87, %dma_wait3A_88] : memref<16x128xi32, #tpu.memory_space<vmem>> -> memref<6x128xi32, #tpu.memory_space<vmem>>
      %dma_wait3A_90 = arith.constant 0 : i32
      %dma_wait3A_91 = tpu.memref_slice %arg3[%run_scoped3A, %add3A_10, %dma_wait3A_90] : memref<2x6250x128xi32, #tpu.memory_space<hbm>> -> memref<1x6x128xi32, #tpu.memory_space<hbm>>
      %dma_wait3A_92 = tpu.memref_squeeze %dma_wait3A_91 : memref<1x6x128xi32, #tpu.memory_space<hbm>> -> memref<6x128xi32, #tpu.memory_space<hbm>>
      tpu.wait_dma2 semaphore(%run_scoped3A_70 : memref<!tpu.dma_semaphore, #tpu.memory_space<semaphore_mem>>) src(%dma_wait3A_92 : memref<6x128xi32, #tpu.memory_space<hbm>>) dst(%dma_wait3A_89 : memref<6x128xi32, #tpu.memory_space<vmem>>)
      tpu.yield
    }) : () -> ()
    %run_scoped3A_11 = arith.constant 1 : i32
    "tpu.region"() ({
      %run_scoped3A_70 = tpu.sem_alloc : memref<!tpu.dma_semaphore, #tpu.memory_space<semaphore_mem>>
      %dma_start3A = arith.constant 0 : i32
      %dma_start3A_71 = arith.constant 0 : i32
      %dma_start3A_72 = tpu.memref_slice %arg7[%dma_start3A, %dma_start3A_71] : memref<16x128xi32, #tpu.memory_space<vmem>> -> memref<6x128xi32, #tpu.memory_space<vmem>>
      %dma_start3A_73 = arith.constant 0 : i32
      %dma_start3A_74 = tpu.memref_slice %arg3[%run_scoped3A_11, %add3A_10, %dma_start3A_73] : memref<2x6250x128xi32, #tpu.memory_space<hbm>> -> memref<1x6x128xi32, #tpu.memory_space<hbm>>
      %dma_start3A_75 = tpu.memref_squeeze %dma_start3A_74 : memref<1x6x128xi32, #tpu.memory_space<hbm>> -> memref<6x128xi32, #tpu.memory_space<hbm>>
      %dma_start3A_76 = arith.constant 0 : i32
      %dma_start3A_77 = arith.constant 0 : i32
      %dma_start3A_78 = tpu.memref_slice %arg7[%dma_start3A_76, %dma_start3A_77] : memref<16x128xi32, #tpu.memory_space<vmem>> -> memref<6x128xi32, #tpu.memory_space<vmem>>
      %dma_start3A_79 = arith.constant 0 : i32
      %dma_start3A_80 = tpu.memref_slice %arg3[%run_scoped3A_11, %add3A_10, %dma_start3A_79] : memref<2x6250x128xi32, #tpu.memory_space<hbm>> -> memref<1x6x128xi32, #tpu.memory_space<hbm>>
      %dma_start3A_81 = tpu.memref_squeeze %dma_start3A_80 : memref<1x6x128xi32, #tpu.memory_space<hbm>> -> memref<6x128xi32, #tpu.memory_space<hbm>>
      tpu.enqueue_dma source(%dma_start3A_81 : memref<6x128xi32, #tpu.memory_space<hbm>>) target(%dma_start3A_78 : memref<6x128xi32, #tpu.memory_space<vmem>>) target_semaphore(%run_scoped3A_70 : memref<!tpu.dma_semaphore, #tpu.memory_space<semaphore_mem>>)
      %dma_wait3A = arith.constant 0 : i32
      %dma_wait3A_82 = arith.constant 0 : i32
      %dma_wait3A_83 = tpu.memref_slice %arg7[%dma_wait3A, %dma_wait3A_82] : memref<16x128xi32, #tpu.memory_space<vmem>> -> memref<6x128xi32, #tpu.memory_space<vmem>>
      %dma_wait3A_84 = arith.constant 0 : i32
      %dma_wait3A_85 = tpu.memref_slice %arg3[%run_scoped3A_11, %add3A_10, %dma_wait3A_84] : memref<2x6250x128xi32, #tpu.memory_space<hbm>> -> memref<1x6x128xi32, #tpu.memory_space<hbm>>
      %dma_wait3A_86 = tpu.memref_squeeze %dma_wait3A_85 : memref<1x6x128xi32, #tpu.memory_space<hbm>> -> memref<6x128xi32, #tpu.memory_space<hbm>>
      %dma_wait3A_87 = arith.constant 0 : i32
      %dma_wait3A_88 = arith.constant 0 : i32
      %dma_wait3A_89 = tpu.memref_slice %arg7[%dma_wait3A_87, %dma_wait3A_88] : memref<16x128xi32, #tpu.memory_space<vmem>> -> memref<6x128xi32, #tpu.memory_space<vmem>>
      %dma_wait3A_90 = arith.constant 0 : i32
      %dma_wait3A_91 = tpu.memref_slice %arg3[%run_scoped3A_11, %add3A_10, %dma_wait3A_90] : memref<2x6250x128xi32, #tpu.memory_space<hbm>> -> memref<1x6x128xi32, #tpu.memory_space<hbm>>
      %dma_wait3A_92 = tpu.memref_squeeze %dma_wait3A_91 : memref<1x6x128xi32, #tpu.memory_space<hbm>> -> memref<6x128xi32, #tpu.memory_space<hbm>>
      tpu.wait_dma2 semaphore(%run_scoped3A_70 : memref<!tpu.dma_semaphore, #tpu.memory_space<semaphore_mem>>) src(%dma_wait3A_92 : memref<6x128xi32, #tpu.memory_space<hbm>>) dst(%dma_wait3A_89 : memref<6x128xi32, #tpu.memory_space<vmem>>)
      tpu.yield
    }) : () -> ()
    %scan3A_12 = arith.constant 0 : i32
    %scan3A_13 = arith.constant 0 : i32
    %scan3A_14 = arith.constant 48 : i32
    %scan3A_15 = arith.addi %scan3A_13, %scan3A_14 : i32
    %scan3A_16 = arith.constant 1 : i32
    %scan3A_17 = scf.for %scan3A_70 = %scan3A_13 to %scan3A_15 step %scan3A_16 iter_args(%scan3A_71 = %scan3A_12) -> (i32)  : i32 {
      %shift_right_arithmetic3A_72 = arith.constant 3 : i32
      %shift_right_arithmetic3A_73 = arith.shrsi %scan3A_70, %shift_right_arithmetic3A_72 : i32
      %and3A_74 = arith.constant 7 : i32
      %and3A_75 = arith.andi %scan3A_70, %and3A_74 : i32
      %mul3A_76 = arith.constant 16 : i32
      %mul3A_77 = arith.muli %and3A_75, %mul3A_76 : i32
      %get3A = arith.index_cast %shift_right_arithmetic3A_73 : i32 to index
      %get3A_78 = arith.index_cast %mul3A_77 : i32 to index
      %get3A_79 = tpu.vector_load %arg7[%get3A, %get3A_78] {strides = array<i32>} : memref<16x128xi32, #tpu.memory_space<vmem>>, vector<16xi32>,
      %get3A_80 = arith.index_cast %shift_right_arithmetic3A_73 : i32 to index
      %get3A_81 = arith.index_cast %mul3A_77 : i32 to index
      %get3A_82 = tpu.vector_load %arg6[%get3A_80, %get3A_81] {strides = array<i32>} : memref<16x128xi32, #tpu.memory_space<vmem>>, vector<16xi32>,
      %ge3A = vector.broadcast %mul3A_0 : i32 to vector<16xi32>
      %ge3A_83 = arith.cmpi sge, %get3A_79, %ge3A : vector<16xi32>
      %add3A_84 = arith.constant 25000 : i32
      %add3A_85 = arith.addi %mul3A_0, %add3A_84 : i32
      %lt3A_86 = vector.broadcast %add3A_85 : i32 to vector<16xi32>
      %lt3A_87 = arith.cmpi slt, %get3A_79, %lt3A_86 : vector<16xi32>
      %and3A_88 = arith.andi %ge3A_83, %lt3A_87 : vector<16xi1>
      %convert_element_type3A_89 = arith.extui %and3A_88 : vector<16xi1> to vector<16xi32>
      %broadcast_in_dim3A = arith.constant true
      %broadcast_in_dim3A_90 = vector.broadcast %broadcast_in_dim3A : i1 to vector<16xi1>
      %masked_cumsum3A = tpu.scan <sum>, %convert_element_type3A_89 masked %broadcast_in_dim3A_90 : vector<16xi32>, vector<16xi1> -> vector<16xi32>
      %add3A_91 = vector.broadcast %scan3A_71 : i32 to vector<16xi32>
      %add3A_92 = arith.addi %add3A_91, %masked_cumsum3A : vector<16xi32>
      %sub3A_93 = arith.subi %add3A_92, %convert_element_type3A_89 : vector<16xi32>
      %iota3A = tpu.iota {dimensions = array<i32: 0>} : vector<16xi32>
      %add3A_94 = arith.constant 2048 : i32
      %add3A_95 = vector.broadcast %add3A_94 : i32 to vector<16xi32>
      %add3A_96 = arith.addi %add3A_95, %iota3A : vector<16xi32>
      %select_n3A = arith.select %and3A_88, %sub3A_93, %add3A_96 : vector<16xi1>, vector<16xi32>
      %sub3A_97 = vector.broadcast %mul3A_0 : i32 to vector<16xi32>
      %sub3A_98 = arith.subi %get3A_79, %sub3A_97 : vector<16xi32>
      tpu.vector_store_idx %arg9[%select_n3A], %sub3A_98 : memref<2064xi32, #tpu.memory_space<vmem>>[vector<16xi32>], vector<16xi32>,
      tpu.vector_store_idx %arg8[%select_n3A], %get3A_82 : memref<2064xi32, #tpu.memory_space<vmem>>[vector<16xi32>], vector<16xi32>,
      %all_reduce_population_count3A = tpu.all_reduce %and3A_88 {dim = 0 : i64, kind = #tpu.reduction_kind<sum>} : vector<16xi1> -> vector<16xi32>
      %slice3A = vector.extract_strided_slice %all_reduce_population_count3A {offsets = [0], sizes = [1], strides = [1]} : vector<16xi32> to vector<1xi32>
      %squeeze3A = vector.extract %slice3A[0] : i32 from vector<1xi32>
      %add3A_99 = arith.addi %scan3A_71, %squeeze3A : i32
      scf.yield %add3A_99 : i32
    }
    %scan3A_18 = arith.constant 48 : i32
    %add3A_19 = arith.constant 128 : i32
    %add3A_20 = arith.addi %scan3A_17, %add3A_19 : i32
    %sub3A = arith.constant 1 : i32
    %sub3A_21 = arith.subi %add3A_20, %sub3A : i32
    %shift_right_arithmetic3A = arith.constant 7 : i32
    %shift_right_arithmetic3A_22 = arith.shrsi %sub3A_21, %shift_right_arithmetic3A : i32
    %shift_right_arithmetic3A_23 = arith.constant 4 : i32
    %shift_right_arithmetic3A_24 = arith.shrsi %scan3A_17, %shift_right_arithmetic3A_23 : i32
    %mul3A_25 = arith.constant 128 : i32
    %mul3A_26 = arith.muli %shift_right_arithmetic3A_22, %mul3A_25 : i32
    %shift_right_arithmetic3A_27 = arith.constant 4 : i32
    %shift_right_arithmetic3A_28 = arith.shrsi %mul3A_26, %shift_right_arithmetic3A_27 : i32
    %while3A = arith.constant 0 : i32
    %while3A_29 = arith.subi %shift_right_arithmetic3A_28, %shift_right_arithmetic3A_24 : i32
    %while3A_30 = arith.addi %shift_right_arithmetic3A_24, %while3A_29 : i32
    %while3A_31 = arith.constant 1 : i32
    %while3A_32 = arith.divsi %while3A_29, %while3A_31 : i32
    %while3A_33 = arith.muli %while3A_32, %while3A_31 : i32
    %while3A_34 = arith.addi %shift_right_arithmetic3A_24, %while3A_33 : i32
    %while3A_35 = arith.constant 1 : i32
    scf.for %while3A_70 = %shift_right_arithmetic3A_24 to %while3A_34 step %while3A_35  : i32 {
      %mul3A_71 = arith.constant 16 : i32
      %mul3A_72 = arith.muli %while3A_70, %mul3A_71 : i32
      %iota3A = tpu.iota {dimensions = array<i32: 0>} : vector<16xi32>
      %add3A_73 = vector.broadcast %mul3A_72 : i32 to vector<16xi32>
      %add3A_74 = arith.addi %add3A_73, %iota3A : vector<16xi32>
      %ge3A = vector.broadcast %scan3A_17 : i32 to vector<16xi32>
      %ge3A_75 = arith.cmpi sge, %add3A_74, %ge3A : vector<16xi32>
      %mul3A_76 = arith.constant 16 : i32
      %mul3A_77 = arith.muli %while3A_70, %mul3A_76 : i32
      %get3A = arith.index_cast %mul3A_77 : i32 to index
      %get3A_78 = tpu.vector_load %arg9[%get3A] {strides = array<i32>} : memref<2064xi32, #tpu.memory_space<vmem>>, vector<16xi32>,
      %mul3A_79 = arith.constant 16 : i32
      %mul3A_80 = arith.muli %while3A_70, %mul3A_79 : i32
      %get3A_81 = arith.index_cast %mul3A_80 : i32 to index
      %get3A_82 = tpu.vector_load %arg8[%get3A_81] {strides = array<i32>} : memref<2064xi32, #tpu.memory_space<vmem>>, vector<16xi32>,
      %and3A_83 = arith.constant 511 : i32
      %and3A_84 = vector.broadcast %and3A_83 : i32 to vector<16xi32>
      %and3A_85 = arith.andi %add3A_74, %and3A_84 : vector<16xi32>
      %add3A_86 = arith.constant 25000 : i32
      %add3A_87 = vector.broadcast %add3A_86 : i32 to vector<16xi32>
      %add3A_88 = arith.addi %add3A_87, %and3A_85 : vector<16xi32>
      %select_n3A = arith.select %ge3A_75, %add3A_88, %get3A_78 : vector<16xi1>, vector<16xi32>
      %mul3A_89 = arith.constant 16 : i32
      %mul3A_90 = arith.muli %while3A_70, %mul3A_89 : i32
      %swap3A = arith.index_cast %mul3A_90 : i32 to index
      %swap3A_91 = tpu.vector_load %arg9[%swap3A] {strides = array<i32>} : memref<2064xi32, #tpu.memory_space<vmem>>, vector<16xi32>,
      tpu.vector_store %arg9[%swap3A], %select_n3A {strides = array<i32>} : memref<2064xi32, #tpu.memory_space<vmem>>, vector<16xi32>,
      %select_n3A_92 = arith.select %ge3A_75, %add3A_74, %get3A_82 : vector<16xi1>, vector<16xi32>
      %mul3A_93 = arith.constant 16 : i32
      %mul3A_94 = arith.muli %while3A_70, %mul3A_93 : i32
      %swap3A_95 = arith.index_cast %mul3A_94 : i32 to index
      %swap3A_96 = tpu.vector_load %arg8[%swap3A_95] {strides = array<i32>} : memref<2064xi32, #tpu.memory_space<vmem>>, vector<16xi32>,
      tpu.vector_store %arg8[%swap3A_95], %select_n3A_92 {strides = array<i32>} : memref<2064xi32, #tpu.memory_space<vmem>>, vector<16xi32>,
    }
    %while3A_36 = arith.constant 1 : i32
    scf.for %while3A_70 = %while3A_34 to %while3A_30 step %while3A_36  : i32 {
      %mul3A_71 = arith.constant 16 : i32
      %mul3A_72 = arith.muli %while3A_70, %mul3A_71 : i32
      %iota3A = tpu.iota {dimensions = array<i32: 0>} : vector<16xi32>
      %add3A_73 = vector.broadcast %mul3A_72 : i32 to vector<16xi32>
      %add3A_74 = arith.addi %add3A_73, %iota3A : vector<16xi32>
      %ge3A = vector.broadcast %scan3A_17 : i32 to vector<16xi32>
      %ge3A_75 = arith.cmpi sge, %add3A_74, %ge3A : vector<16xi32>
      %mul3A_76 = arith.constant 16 : i32
      %mul3A_77 = arith.muli %while3A_70, %mul3A_76 : i32
      %get3A = arith.index_cast %mul3A_77 : i32 to index
      %get3A_78 = tpu.vector_load %arg9[%get3A] {strides = array<i32>} : memref<2064xi32, #tpu.memory_space<vmem>>, vector<16xi32>,
      %mul3A_79 = arith.constant 16 : i32
      %mul3A_80 = arith.muli %while3A_70, %mul3A_79 : i32
      %get3A_81 = arith.index_cast %mul3A_80 : i32 to index
      %get3A_82 = tpu.vector_load %arg8[%get3A_81] {strides = array<i32>} : memref<2064xi32, #tpu.memory_space<vmem>>, vector<16xi32>,
      %and3A_83 = arith.constant 511 : i32
      %and3A_84 = vector.broadcast %and3A_83 : i32 to vector<16xi32>
      %and3A_85 = arith.andi %add3A_74, %and3A_84 : vector<16xi32>
      %add3A_86 = arith.constant 25000 : i32
      %add3A_87 = vector.broadcast %add3A_86 : i32 to vector<16xi32>
      %add3A_88 = arith.addi %add3A_87, %and3A_85 : vector<16xi32>
      %select_n3A = arith.select %ge3A_75, %add3A_88, %get3A_78 : vector<16xi1>, vector<16xi32>
      %mul3A_89 = arith.constant 16 : i32
      %mul3A_90 = arith.muli %while3A_70, %mul3A_89 : i32
      %swap3A = arith.index_cast %mul3A_90 : i32 to index
      %swap3A_91 = tpu.vector_load %arg9[%swap3A] {strides = array<i32>} : memref<2064xi32, #tpu.memory_space<vmem>>, vector<16xi32>,
      tpu.vector_store %arg9[%swap3A], %select_n3A {strides = array<i32>} : memref<2064xi32, #tpu.memory_space<vmem>>, vector<16xi32>,
      %select_n3A_92 = arith.select %ge3A_75, %add3A_74, %get3A_82 : vector<16xi1>, vector<16xi32>
      %mul3A_93 = arith.constant 16 : i32
      %mul3A_94 = arith.muli %while3A_70, %mul3A_93 : i32
      %swap3A_95 = arith.index_cast %mul3A_94 : i32 to index
      %swap3A_96 = tpu.vector_load %arg8[%swap3A_95] {strides = array<i32>} : memref<2064xi32, #tpu.memory_space<vmem>>, vector<16xi32>,
      tpu.vector_store %arg8[%swap3A_95], %select_n3A_92 {strides = array<i32>} : memref<2064xi32, #tpu.memory_space<vmem>>, vector<16xi32>,
    }
    %add3A_37 = arith.constant 1 : i32
    %add3A_38 = arith.addi %shift_right_arithmetic3A_22, %add3A_37 : i32
    %shift_right_arithmetic3A_39 = arith.constant 1 : i32
    %shift_right_arithmetic3A_40 = arith.shrsi %add3A_38, %shift_right_arithmetic3A_39 : i32
    %while3A_41 = arith.constant 0 : i32
    %while3A_42 = arith.constant 0 : i32
    %while3A_43 = arith.subi %shift_right_arithmetic3A_40, %while3A_42 : i32
    %while3A_44 = arith.addi %while3A_42, %while3A_43 : i32
    %while3A_45 = arith.constant 1 : i32
    %while3A_46 = arith.divsi %while3A_43, %while3A_45 : i32
    %while3A_47 = arith.muli %while3A_46, %while3A_45 : i32
    %while3A_48 = arith.addi %while3A_42, %while3A_47 : i32
    %while3A_49 = arith.constant 1 : i32
    scf.for %while3A_70 = %while3A_42 to %while3A_48 step %while3A_49  : i32 {
      %mul3A_71 = arith.constant 2 : i32
      %mul3A_72 = arith.muli %mul3A_71, %while3A_70 : i32
      %add3A_73 = arith.constant 1 : i32
      %add3A_74 = arith.addi %mul3A_72, %add3A_73 : i32
      %gt3A_75 = arith.constant 0 : i32
      %gt3A_76 = arith.cmpi sgt, %while3A_70, %gt3A_75 : i32
      %convert_element_type3A_77 = arith.extui %gt3A_76 : i1 to i32
      %cond3A_78 = arith.constant 0 : i32
      %cond3A_79 = arith.cmpi ne, %convert_element_type3A_77, %cond3A_78 : i32
      scf.if %cond3A_79 {
        %dma_wait3A_108 = arith.constant 0 : i32
        %dma_wait3A_109 = tpu.memref_slice %arg9[%dma_wait3A_108] : memref<2064xi32, #tpu.memory_space<vmem>> -> memref<128xi32, #tpu.memory_space<vmem>>
        %dma_wait3A_110 = arith.constant 0 : i32
        %dma_wait3A_111 = arith.constant 0 : i32
        %dma_wait3A_112 = tpu.memref_slice %arg16[%dma_wait3A_110, %dma_wait3A_111] : memref<25600x64xf32, #tpu.memory_space<vmem_shared>> -> memref<25600x64xf32, #tpu.memory_space<vmem_shared>>
        tpu.wait_indirect_dma semaphore(%arg14 : memref<!tpu.dma_semaphore, #tpu.memory_space<semaphore_mem>>) src(%arg10 : memref<128x64xf32, #tpu.memory_space<vmem>>) dst(%dma_wait3A_112 : memref<25600x64xf32, #tpu.memory_space<vmem_shared>>)
      } else {
      }
      %mul3A_80 = arith.constant 128 : i32
      %mul3A_81 = arith.muli %mul3A_72, %mul3A_80 : i32
      %dma_start3A = tpu.memref_slice %arg8[%mul3A_81] : memref<2064xi32, #tpu.memory_space<vmem>> -> memref<128xi32, #tpu.memory_space<vmem>>
      %dma_start3A_82 = arith.constant 0 : i32
      %dma_start3A_83 = arith.constant 0 : i32
      %dma_start3A_84 = tpu.memref_slice %arg2[%dma_start3A_82, %dma_start3A_83] : memref<50000x64xf32, #tpu.memory_space<hbm>> -> memref<50000x64xf32, #tpu.memory_space<hbm>>
      tpu.enqueue_indirect_dma source(%dma_start3A_84 : memref<50000x64xf32, #tpu.memory_space<hbm>>) target(%arg10 : memref<128x64xf32, #tpu.memory_space<vmem>>) offsets(%dma_start3A : memref<128xi32, #tpu.memory_space<vmem>>) semaphore(%arg12 : memref<!tpu.dma_semaphore, #tpu.memory_space<semaphore_mem>>)
      %gt3A_85 = arith.constant 0 : i32
      %gt3A_86 = arith.cmpi sgt, %while3A_70, %gt3A_85 : i32
      %convert_element_type3A_87 = arith.extui %gt3A_86 : i1 to i32
      %cond3A_88 = arith.constant 0 : i32
      %cond3A_89 = arith.cmpi ne, %convert_element_type3A_87, %cond3A_88 : i32
      scf.if %cond3A_89 {
        %dma_wait3A_108 = arith.constant 0 : i32
        %dma_wait3A_109 = tpu.memref_slice %arg9[%dma_wait3A_108] : memref<2064xi32, #tpu.memory_space<vmem>> -> memref<128xi32, #tpu.memory_space<vmem>>
        %dma_wait3A_110 = arith.constant 0 : i32
        %dma_wait3A_111 = arith.constant 0 : i32
        %dma_wait3A_112 = tpu.memref_slice %arg16[%dma_wait3A_110, %dma_wait3A_111] : memref<25600x64xf32, #tpu.memory_space<vmem_shared>> -> memref<25600x64xf32, #tpu.memory_space<vmem_shared>>
        tpu.wait_indirect_dma semaphore(%arg15 : memref<!tpu.dma_semaphore, #tpu.memory_space<semaphore_mem>>) src(%arg11 : memref<128x64xf32, #tpu.memory_space<vmem>>) dst(%dma_wait3A_112 : memref<25600x64xf32, #tpu.memory_space<vmem_shared>>)
      } else {
      }
      %lt3A_90 = arith.cmpi slt, %add3A_74, %shift_right_arithmetic3A_22 : i32
      %convert_element_type3A_91 = arith.extui %lt3A_90 : i1 to i32
      %cond3A_92 = arith.constant 0 : i32
      %cond3A_93 = arith.cmpi ne, %convert_element_type3A_91, %cond3A_92 : i32
      scf.if %cond3A_93 {
        %mul3A_108 = arith.constant 128 : i32
        %mul3A_109 = arith.muli %add3A_74, %mul3A_108 : i32
        %dma_start3A_110 = tpu.memref_slice %arg8[%mul3A_109] : memref<2064xi32, #tpu.memory_space<vmem>> -> memref<128xi32, #tpu.memory_space<vmem>>
        %dma_start3A_111 = arith.constant 0 : i32
        %dma_start3A_112 = arith.constant 0 : i32
        %dma_start3A_113 = tpu.memref_slice %arg2[%dma_start3A_111, %dma_start3A_112] : memref<50000x64xf32, #tpu.memory_space<hbm>> -> memref<50000x64xf32, #tpu.memory_space<hbm>>
        tpu.enqueue_indirect_dma source(%dma_start3A_113 : memref<50000x64xf32, #tpu.memory_space<hbm>>) target(%arg11 : memref<128x64xf32, #tpu.memory_space<vmem>>) offsets(%dma_start3A_110 : memref<128xi32, #tpu.memory_space<vmem>>) semaphore(%arg13 : memref<!tpu.dma_semaphore, #tpu.memory_space<semaphore_mem>>)
      } else {
      }
      %dma_wait3A = arith.constant 0 : i32
      %dma_wait3A_94 = tpu.memref_slice %arg8[%dma_wait3A] : memref<2064xi32, #tpu.memory_space<vmem>> -> memref<128xi32, #tpu.memory_space<vmem>>
      %dma_wait3A_95 = arith.constant 0 : i32
      %dma_wait3A_96 = arith.constant 0 : i32
      %dma_wait3A_97 = tpu.memref_slice %arg2[%dma_wait3A_95, %dma_wait3A_96] : memref<50000x64xf32, #tpu.memory_space<hbm>> -> memref<50000x64xf32, #tpu.memory_space<hbm>>
      tpu.wait_indirect_dma semaphore(%arg12 : memref<!tpu.dma_semaphore, #tpu.memory_space<semaphore_mem>>) src(%dma_wait3A_97 : memref<50000x64xf32, #tpu.memory_space<hbm>>) dst(%arg10 : memref<128x64xf32, #tpu.memory_space<vmem>>)
      %mul3A_98 = arith.constant 128 : i32
      %mul3A_99 = arith.muli %mul3A_72, %mul3A_98 : i32
      %dma_start3A_100 = tpu.memref_slice %arg9[%mul3A_99] : memref<2064xi32, #tpu.memory_space<vmem>> -> memref<128xi32, #tpu.memory_space<vmem>>
      %dma_start3A_101 = arith.constant 0 : i32
      %dma_start3A_102 = arith.constant 0 : i32
      %dma_start3A_103 = tpu.memref_slice %arg16[%dma_start3A_101, %dma_start3A_102] : memref<25600x64xf32, #tpu.memory_space<vmem_shared>> -> memref<25600x64xf32, #tpu.memory_space<vmem_shared>>
      tpu.enqueue_indirect_dma source(%arg10 : memref<128x64xf32, #tpu.memory_space<vmem>>) target(%dma_start3A_103 : memref<25600x64xf32, #tpu.memory_space<vmem_shared>>) offsets(%dma_start3A_100 : memref<128xi32, #tpu.memory_space<vmem>>) semaphore(%arg14 : memref<!tpu.dma_semaphore, #tpu.memory_space<semaphore_mem>>) {add = true}
      %lt3A_104 = arith.cmpi slt, %add3A_74, %shift_right_arithmetic3A_22 : i32
      %convert_element_type3A_105 = arith.extui %lt3A_104 : i1 to i32
      %cond3A_106 = arith.constant 0 : i32
      %cond3A_107 = arith.cmpi ne, %convert_element_type3A_105, %cond3A_106 : i32
      scf.if %cond3A_107 {
        %dma_wait3A_108 = arith.constant 0 : i32
        %dma_wait3A_109 = tpu.memref_slice %arg8[%dma_wait3A_108] : memref<2064xi32, #tpu.memory_space<vmem>> -> memref<128xi32, #tpu.memory_space<vmem>>
        %dma_wait3A_110 = arith.constant 0 : i32
        %dma_wait3A_111 = arith.constant 0 : i32
        %dma_wait3A_112 = tpu.memref_slice %arg2[%dma_wait3A_110, %dma_wait3A_111] : memref<50000x64xf32, #tpu.memory_space<hbm>> -> memref<50000x64xf32, #tpu.memory_space<hbm>>
        tpu.wait_indirect_dma semaphore(%arg13 : memref<!tpu.dma_semaphore, #tpu.memory_space<semaphore_mem>>) src(%dma_wait3A_112 : memref<50000x64xf32, #tpu.memory_space<hbm>>) dst(%arg11 : memref<128x64xf32, #tpu.memory_space<vmem>>)
        %mul3A_113 = arith.constant 128 : i32
        %mul3A_114 = arith.muli %add3A_74, %mul3A_113 : i32
        %dma_start3A_115 = tpu.memref_slice %arg9[%mul3A_114] : memref<2064xi32, #tpu.memory_space<vmem>> -> memref<128xi32, #tpu.memory_space<vmem>>
        %dma_start3A_116 = arith.constant 0 : i32
        %dma_start3A_117 = arith.constant 0 : i32
        %dma_start3A_118 = tpu.memref_slice %arg16[%dma_start3A_116, %dma_start3A_117] : memref<25600x64xf32, #tpu.memory_space<vmem_shared>> -> memref<25600x64xf32, #tpu.memory_space<vmem_shared>>
        tpu.enqueue_indirect_dma source(%arg11 : memref<128x64xf32, #tpu.memory_space<vmem>>) target(%dma_start3A_118 : memref<25600x64xf32, #tpu.memory_space<vmem_shared>>) offsets(%dma_start3A_115 : memref<128xi32, #tpu.memory_space<vmem>>) semaphore(%arg15 : memref<!tpu.dma_semaphore, #tpu.memory_space<semaphore_mem>>) {add = true}
      } else {
      }
    }
    %while3A_50 = arith.constant 1 : i32
    scf.for %while3A_70 = %while3A_48 to %while3A_44 step %while3A_50  : i32 {
      %mul3A_71 = arith.constant 2 : i32
      %mul3A_72 = arith.muli %mul3A_71, %while3A_70 : i32
      %add3A_73 = arith.constant 1 : i32
      %add3A_74 = arith.addi %mul3A_72, %add3A_73 : i32
      %gt3A_75 = arith.constant 0 : i32
      %gt3A_76 = arith.cmpi sgt, %while3A_70, %gt3A_75 : i32
      %convert_element_type3A_77 = arith.extui %gt3A_76 : i1 to i32
      %cond3A_78 = arith.constant 0 : i32
      %cond3A_79 = arith.cmpi ne, %convert_element_type3A_77, %cond3A_78 : i32
      scf.if %cond3A_79 {
        %dma_wait3A_108 = arith.constant 0 : i32
        %dma_wait3A_109 = tpu.memref_slice %arg9[%dma_wait3A_108] : memref<2064xi32, #tpu.memory_space<vmem>> -> memref<128xi32, #tpu.memory_space<vmem>>
        %dma_wait3A_110 = arith.constant 0 : i32
        %dma_wait3A_111 = arith.constant 0 : i32
        %dma_wait3A_112 = tpu.memref_slice %arg16[%dma_wait3A_110, %dma_wait3A_111] : memref<25600x64xf32, #tpu.memory_space<vmem_shared>> -> memref<25600x64xf32, #tpu.memory_space<vmem_shared>>
        tpu.wait_indirect_dma semaphore(%arg14 : memref<!tpu.dma_semaphore, #tpu.memory_space<semaphore_mem>>) src(%arg10 : memref<128x64xf32, #tpu.memory_space<vmem>>) dst(%dma_wait3A_112 : memref<25600x64xf32, #tpu.memory_space<vmem_shared>>)
      } else {
      }
      %mul3A_80 = arith.constant 128 : i32
      %mul3A_81 = arith.muli %mul3A_72, %mul3A_80 : i32
      %dma_start3A = tpu.memref_slice %arg8[%mul3A_81] : memref<2064xi32, #tpu.memory_space<vmem>> -> memref<128xi32, #tpu.memory_space<vmem>>
      %dma_start3A_82 = arith.constant 0 : i32
      %dma_start3A_83 = arith.constant 0 : i32
      %dma_start3A_84 = tpu.memref_slice %arg2[%dma_start3A_82, %dma_start3A_83] : memref<50000x64xf32, #tpu.memory_space<hbm>> -> memref<50000x64xf32, #tpu.memory_space<hbm>>
      tpu.enqueue_indirect_dma source(%dma_start3A_84 : memref<50000x64xf32, #tpu.memory_space<hbm>>) target(%arg10 : memref<128x64xf32, #tpu.memory_space<vmem>>) offsets(%dma_start3A : memref<128xi32, #tpu.memory_space<vmem>>) semaphore(%arg12 : memref<!tpu.dma_semaphore, #tpu.memory_space<semaphore_mem>>)
      %gt3A_85 = arith.constant 0 : i32
      %gt3A_86 = arith.cmpi sgt, %while3A_70, %gt3A_85 : i32
      %convert_element_type3A_87 = arith.extui %gt3A_86 : i1 to i32
      %cond3A_88 = arith.constant 0 : i32
      %cond3A_89 = arith.cmpi ne, %convert_element_type3A_87, %cond3A_88 : i32
      scf.if %cond3A_89 {
        %dma_wait3A_108 = arith.constant 0 : i32
        %dma_wait3A_109 = tpu.memref_slice %arg9[%dma_wait3A_108] : memref<2064xi32, #tpu.memory_space<vmem>> -> memref<128xi32, #tpu.memory_space<vmem>>
        %dma_wait3A_110 = arith.constant 0 : i32
        %dma_wait3A_111 = arith.constant 0 : i32
        %dma_wait3A_112 = tpu.memref_slice %arg16[%dma_wait3A_110, %dma_wait3A_111] : memref<25600x64xf32, #tpu.memory_space<vmem_shared>> -> memref<25600x64xf32, #tpu.memory_space<vmem_shared>>
        tpu.wait_indirect_dma semaphore(%arg15 : memref<!tpu.dma_semaphore, #tpu.memory_space<semaphore_mem>>) src(%arg11 : memref<128x64xf32, #tpu.memory_space<vmem>>) dst(%dma_wait3A_112 : memref<25600x64xf32, #tpu.memory_space<vmem_shared>>)
      } else {
      }
      %lt3A_90 = arith.cmpi slt, %add3A_74, %shift_right_arithmetic3A_22 : i32
      %convert_element_type3A_91 = arith.extui %lt3A_90 : i1 to i32
      %cond3A_92 = arith.constant 0 : i32
      %cond3A_93 = arith.cmpi ne, %convert_element_type3A_91, %cond3A_92 : i32
      scf.if %cond3A_93 {
        %mul3A_108 = arith.constant 128 : i32
        %mul3A_109 = arith.muli %add3A_74, %mul3A_108 : i32
        %dma_start3A_110 = tpu.memref_slice %arg8[%mul3A_109] : memref<2064xi32, #tpu.memory_space<vmem>> -> memref<128xi32, #tpu.memory_space<vmem>>
        %dma_start3A_111 = arith.constant 0 : i32
        %dma_start3A_112 = arith.constant 0 : i32
        %dma_start3A_113 = tpu.memref_slice %arg2[%dma_start3A_111, %dma_start3A_112] : memref<50000x64xf32, #tpu.memory_space<hbm>> -> memref<50000x64xf32, #tpu.memory_space<hbm>>
        tpu.enqueue_indirect_dma source(%dma_start3A_113 : memref<50000x64xf32, #tpu.memory_space<hbm>>) target(%arg11 : memref<128x64xf32, #tpu.memory_space<vmem>>) offsets(%dma_start3A_110 : memref<128xi32, #tpu.memory_space<vmem>>) semaphore(%arg13 : memref<!tpu.dma_semaphore, #tpu.memory_space<semaphore_mem>>)
      } else {
      }
      %dma_wait3A = arith.constant 0 : i32
      %dma_wait3A_94 = tpu.memref_slice %arg8[%dma_wait3A] : memref<2064xi32, #tpu.memory_space<vmem>> -> memref<128xi32, #tpu.memory_space<vmem>>
      %dma_wait3A_95 = arith.constant 0 : i32
      %dma_wait3A_96 = arith.constant 0 : i32
      %dma_wait3A_97 = tpu.memref_slice %arg2[%dma_wait3A_95, %dma_wait3A_96] : memref<50000x64xf32, #tpu.memory_space<hbm>> -> memref<50000x64xf32, #tpu.memory_space<hbm>>
      tpu.wait_indirect_dma semaphore(%arg12 : memref<!tpu.dma_semaphore, #tpu.memory_space<semaphore_mem>>) src(%dma_wait3A_97 : memref<50000x64xf32, #tpu.memory_space<hbm>>) dst(%arg10 : memref<128x64xf32, #tpu.memory_space<vmem>>)
      %mul3A_98 = arith.constant 128 : i32
      %mul3A_99 = arith.muli %mul3A_72, %mul3A_98 : i32
      %dma_start3A_100 = tpu.memref_slice %arg9[%mul3A_99] : memref<2064xi32, #tpu.memory_space<vmem>> -> memref<128xi32, #tpu.memory_space<vmem>>
      %dma_start3A_101 = arith.constant 0 : i32
      %dma_start3A_102 = arith.constant 0 : i32
      %dma_start3A_103 = tpu.memref_slice %arg16[%dma_start3A_101, %dma_start3A_102] : memref<25600x64xf32, #tpu.memory_space<vmem_shared>> -> memref<25600x64xf32, #tpu.memory_space<vmem_shared>>
      tpu.enqueue_indirect_dma source(%arg10 : memref<128x64xf32, #tpu.memory_space<vmem>>) target(%dma_start3A_103 : memref<25600x64xf32, #tpu.memory_space<vmem_shared>>) offsets(%dma_start3A_100 : memref<128xi32, #tpu.memory_space<vmem>>) semaphore(%arg14 : memref<!tpu.dma_semaphore, #tpu.memory_space<semaphore_mem>>) {add = true}
      %lt3A_104 = arith.cmpi slt, %add3A_74, %shift_right_arithmetic3A_22 : i32
      %convert_element_type3A_105 = arith.extui %lt3A_104 : i1 to i32
      %cond3A_106 = arith.constant 0 : i32
      %cond3A_107 = arith.cmpi ne, %convert_element_type3A_105, %cond3A_106 : i32
      scf.if %cond3A_107 {
        %dma_wait3A_108 = arith.constant 0 : i32
        %dma_wait3A_109 = tpu.memref_slice %arg8[%dma_wait3A_108] : memref<2064xi32, #tpu.memory_space<vmem>> -> memref<128xi32, #tpu.memory_space<vmem>>
        %dma_wait3A_110 = arith.constant 0 : i32
        %dma_wait3A_111 = arith.constant 0 : i32
        %dma_wait3A_112 = tpu.memref_slice %arg2[%dma_wait3A_110, %dma_wait3A_111] : memref<50000x64xf32, #tpu.memory_space<hbm>> -> memref<50000x64xf32, #tpu.memory_space<hbm>>
        tpu.wait_indirect_dma semaphore(%arg13 : memref<!tpu.dma_semaphore, #tpu.memory_space<semaphore_mem>>) src(%dma_wait3A_112 : memref<50000x64xf32, #tpu.memory_space<hbm>>) dst(%arg11 : memref<128x64xf32, #tpu.memory_space<vmem>>)
        %mul3A_113 = arith.constant 128 : i32
        %mul3A_114 = arith.muli %add3A_74, %mul3A_113 : i32
        %dma_start3A_115 = tpu.memref_slice %arg9[%mul3A_114] : memref<2064xi32, #tpu.memory_space<vmem>> -> memref<128xi32, #tpu.memory_space<vmem>>
        %dma_start3A_116 = arith.constant 0 : i32
        %dma_start3A_117 = arith.constant 0 : i32
        %dma_start3A_118 = tpu.memref_slice %arg16[%dma_start3A_116, %dma_start3A_117] : memref<25600x64xf32, #tpu.memory_space<vmem_shared>> -> memref<25600x64xf32, #tpu.memory_space<vmem_shared>>
        tpu.enqueue_indirect_dma source(%arg11 : memref<128x64xf32, #tpu.memory_space<vmem>>) target(%dma_start3A_118 : memref<25600x64xf32, #tpu.memory_space<vmem_shared>>) offsets(%dma_start3A_115 : memref<128xi32, #tpu.memory_space<vmem>>) semaphore(%arg15 : memref<!tpu.dma_semaphore, #tpu.memory_space<semaphore_mem>>) {add = true}
      } else {
      }
    }
    %gt3A = arith.constant 0 : i32
    %gt3A_51 = arith.cmpi sgt, %shift_right_arithmetic3A_22, %gt3A : i32
    %convert_element_type3A = arith.extui %gt3A_51 : i1 to i32
    %cond3A = arith.constant 0 : i32
    %cond3A_52 = arith.cmpi ne, %convert_element_type3A, %cond3A : i32
    scf.if %cond3A_52 {
      %dma_wait3A = arith.constant 0 : i32
      %dma_wait3A_70 = tpu.memref_slice %arg9[%dma_wait3A] : memref<2064xi32, #tpu.memory_space<vmem>> -> memref<128xi32, #tpu.memory_space<vmem>>
      %dma_wait3A_71 = arith.constant 0 : i32
      %dma_wait3A_72 = arith.constant 0 : i32
      %dma_wait3A_73 = tpu.memref_slice %arg16[%dma_wait3A_71, %dma_wait3A_72] : memref<25600x64xf32, #tpu.memory_space<vmem_shared>> -> memref<25600x64xf32, #tpu.memory_space<vmem_shared>>
      tpu.wait_indirect_dma semaphore(%arg14 : memref<!tpu.dma_semaphore, #tpu.memory_space<semaphore_mem>>) src(%arg10 : memref<128x64xf32, #tpu.memory_space<vmem>>) dst(%dma_wait3A_73 : memref<25600x64xf32, #tpu.memory_space<vmem_shared>>)
    } else {
    }
    %gt3A_53 = arith.constant 0 : i32
    %gt3A_54 = arith.cmpi sgt, %shift_right_arithmetic3A_22, %gt3A_53 : i32
    %and3A = arith.constant 1 : i32
    %and3A_55 = arith.andi %shift_right_arithmetic3A_22, %and3A : i32
    %eq3A = arith.constant 0 : i32
    %eq3A_56 = arith.cmpi eq, %and3A_55, %eq3A : i32
    %and3A_57 = arith.andi %gt3A_54, %eq3A_56 : i1
    %convert_element_type3A_58 = arith.extui %and3A_57 : i1 to i32
    %cond3A_59 = arith.constant 0 : i32
    %cond3A_60 = arith.cmpi ne, %convert_element_type3A_58, %cond3A_59 : i32
    scf.if %cond3A_60 {
      %dma_wait3A = arith.constant 0 : i32
      %dma_wait3A_70 = tpu.memref_slice %arg9[%dma_wait3A] : memref<2064xi32, #tpu.memory_space<vmem>> -> memref<128xi32, #tpu.memory_space<vmem>>
      %dma_wait3A_71 = arith.constant 0 : i32
      %dma_wait3A_72 = arith.constant 0 : i32
      %dma_wait3A_73 = tpu.memref_slice %arg16[%dma_wait3A_71, %dma_wait3A_72] : memref<25600x64xf32, #tpu.memory_space<vmem_shared>> -> memref<25600x64xf32, #tpu.memory_space<vmem_shared>>
      tpu.wait_indirect_dma semaphore(%arg15 : memref<!tpu.dma_semaphore, #tpu.memory_space<semaphore_mem>>) src(%arg11 : memref<128x64xf32, #tpu.memory_space<vmem>>) dst(%dma_wait3A_73 : memref<25600x64xf32, #tpu.memory_space<vmem_shared>>)
    } else {
    }
    %lt3A = arith.constant 10 : i32
    %lt3A_61 = arith.cmpi slt, %arg1, %lt3A : i32
    %convert_element_type3A_62 = arith.extui %lt3A_61 : i1 to i32
    %cond3A_63 = arith.constant 0 : i32
    %cond3A_64 = arith.cmpi ne, %convert_element_type3A_62, %cond3A_63 : i32
    scf.if %cond3A_64 {
      %add3A_70 = arith.constant 6240 : i32
      %add3A_71 = arith.addi %add3A_70, %arg1 : i32
      %run_scoped3A_72 = arith.constant 0 : i32
      "tpu.region"() ({
        %run_scoped3A_266 = tpu.sem_alloc : memref<!tpu.dma_semaphore, #tpu.memory_space<semaphore_mem>>
        %dma_start3A = arith.constant 0 : i32
        %dma_start3A_267 = arith.constant 0 : i32
        %dma_start3A_268 = tpu.memref_slice %arg6[%dma_start3A, %dma_start3A_267] : memref<16x128xi32, #tpu.memory_space<vmem>> -> memref<1x128xi32, #tpu.memory_space<vmem>>
        %dma_start3A_269 = arith.constant 0 : i32
        %dma_start3A_270 = tpu.memref_slice %arg3[%run_scoped3A_72, %add3A_71, %dma_start3A_269] : memref<2x6250x128xi32, #tpu.memory_space<hbm>> -> memref<1x1x128xi32, #tpu.memory_space<hbm>>
        %dma_start3A_271 = tpu.memref_squeeze %dma_start3A_270 : memref<1x1x128xi32, #tpu.memory_space<hbm>> -> memref<1x128xi32, #tpu.memory_space<hbm>>
        %dma_start3A_272 = arith.constant 0 : i32
        %dma_start3A_273 = arith.constant 0 : i32
        %dma_start3A_274 = tpu.memref_slice %arg6[%dma_start3A_272, %dma_start3A_273] : memref<16x128xi32, #tpu.memory_space<vmem>> -> memref<1x128xi32, #tpu.memory_space<vmem>>
        %dma_start3A_275 = arith.constant 0 : i32
        %dma_start3A_276 = tpu.memref_slice %arg3[%run_scoped3A_72, %add3A_71, %dma_start3A_275] : memref<2x6250x128xi32, #tpu.memory_space<hbm>> -> memref<1x1x128xi32, #tpu.memory_space<hbm>>
        %dma_start3A_277 = tpu.memref_squeeze %dma_start3A_276 : memref<1x1x128xi32, #tpu.memory_space<hbm>> -> memref<1x128xi32, #tpu.memory_space<hbm>>
        tpu.enqueue_dma source(%dma_start3A_277 : memref<1x128xi32, #tpu.memory_space<hbm>>) target(%dma_start3A_274 : memref<1x128xi32, #tpu.memory_space<vmem>>) target_semaphore(%run_scoped3A_266 : memref<!tpu.dma_semaphore, #tpu.memory_space<semaphore_mem>>)
        %dma_wait3A = arith.constant 0 : i32
        %dma_wait3A_278 = arith.constant 0 : i32
        %dma_wait3A_279 = tpu.memref_slice %arg6[%dma_wait3A, %dma_wait3A_278] : memref<16x128xi32, #tpu.memory_space<vmem>> -> memref<1x128xi32, #tpu.memory_space<vmem>>
        %dma_wait3A_280 = arith.constant 0 : i32
        %dma_wait3A_281 = tpu.memref_slice %arg3[%run_scoped3A_72, %add3A_71, %dma_wait3A_280] : memref<2x6250x128xi32, #tpu.memory_space<hbm>> -> memref<1x1x128xi32, #tpu.memory_space<hbm>>
        %dma_wait3A_282 = tpu.memref_squeeze %dma_wait3A_281 : memref<1x1x128xi32, #tpu.memory_space<hbm>> -> memref<1x128xi32, #tpu.memory_space<hbm>>
        %dma_wait3A_283 = arith.constant 0 : i32
        %dma_wait3A_284 = arith.constant 0 : i32
        %dma_wait3A_285 = tpu.memref_slice %arg6[%dma_wait3A_283, %dma_wait3A_284] : memref<16x128xi32, #tpu.memory_space<vmem>> -> memref<1x128xi32, #tpu.memory_space<vmem>>
        %dma_wait3A_286 = arith.constant 0 : i32
        %dma_wait3A_287 = tpu.memref_slice %arg3[%run_scoped3A_72, %add3A_71, %dma_wait3A_286] : memref<2x6250x128xi32, #tpu.memory_space<hbm>> -> memref<1x1x128xi32, #tpu.memory_space<hbm>>
        %dma_wait3A_288 = tpu.memref_squeeze %dma_wait3A_287 : memref<1x1x128xi32, #tpu.memory_space<hbm>> -> memref<1x128xi32, #tpu.memory_space<hbm>>
        tpu.wait_dma2 semaphore(%run_scoped3A_266 : memref<!tpu.dma_semaphore, #tpu.memory_space<semaphore_mem>>) src(%dma_wait3A_288 : memref<1x128xi32, #tpu.memory_space<hbm>>) dst(%dma_wait3A_285 : memref<1x128xi32, #tpu.memory_space<vmem>>)
        tpu.yield
      }) : () -> ()
      %add3A_73 = arith.constant 6240 : i32
      %add3A_74 = arith.addi %add3A_73, %arg1 : i32
      %run_scoped3A_75 = arith.constant 1 : i32
      "tpu.region"() ({
        %run_scoped3A_266 = tpu.sem_alloc : memref<!tpu.dma_semaphore, #tpu.memory_space<semaphore_mem>>
        %dma_start3A = arith.constant 0 : i32
        %dma_start3A_267 = arith.constant 0 : i32
        %dma_start3A_268 = tpu.memref_slice %arg7[%dma_start3A, %dma_start3A_267] : memref<16x128xi32, #tpu.memory_space<vmem>> -> memref<1x128xi32, #tpu.memory_space<vmem>>
        %dma_start3A_269 = arith.constant 0 : i32
        %dma_start3A_270 = tpu.memref_slice %arg3[%run_scoped3A_75, %add3A_74, %dma_start3A_269] : memref<2x6250x128xi32, #tpu.memory_space<hbm>> -> memref<1x1x128xi32, #tpu.memory_space<hbm>>
        %dma_start3A_271 = tpu.memref_squeeze %dma_start3A_270 : memref<1x1x128xi32, #tpu.memory_space<hbm>> -> memref<1x128xi32, #tpu.memory_space<hbm>>
        %dma_start3A_272 = arith.constant 0 : i32
        %dma_start3A_273 = arith.constant 0 : i32
        %dma_start3A_274 = tpu.memref_slice %arg7[%dma_start3A_272, %dma_start3A_273] : memref<16x128xi32, #tpu.memory_space<vmem>> -> memref<1x128xi32, #tpu.memory_space<vmem>>
        %dma_start3A_275 = arith.constant 0 : i32
        %dma_start3A_276 = tpu.memref_slice %arg3[%run_scoped3A_75, %add3A_74, %dma_start3A_275] : memref<2x6250x128xi32, #tpu.memory_space<hbm>> -> memref<1x1x128xi32, #tpu.memory_space<hbm>>
        %dma_start3A_277 = tpu.memref_squeeze %dma_start3A_276 : memref<1x1x128xi32, #tpu.memory_space<hbm>> -> memref<1x128xi32, #tpu.memory_space<hbm>>
        tpu.enqueue_dma source(%dma_start3A_277 : memref<1x128xi32, #tpu.memory_space<hbm>>) target(%dma_start3A_274 : memref<1x128xi32, #tpu.memory_space<vmem>>) target_semaphore(%run_scoped3A_266 : memref<!tpu.dma_semaphore, #tpu.memory_space<semaphore_mem>>)
        %dma_wait3A = arith.constant 0 : i32
        %dma_wait3A_278 = arith.constant 0 : i32
        %dma_wait3A_279 = tpu.memref_slice %arg7[%dma_wait3A, %dma_wait3A_278] : memref<16x128xi32, #tpu.memory_space<vmem>> -> memref<1x128xi32, #tpu.memory_space<vmem>>
        %dma_wait3A_280 = arith.constant 0 : i32
        %dma_wait3A_281 = tpu.memref_slice %arg3[%run_scoped3A_75, %add3A_74, %dma_wait3A_280] : memref<2x6250x128xi32, #tpu.memory_space<hbm>> -> memref<1x1x128xi32, #tpu.memory_space<hbm>>
        %dma_wait3A_282 = tpu.memref_squeeze %dma_wait3A_281 : memref<1x1x128xi32, #tpu.memory_space<hbm>> -> memref<1x128xi32, #tpu.memory_space<hbm>>
        %dma_wait3A_283 = arith.constant 0 : i32
        %dma_wait3A_284 = arith.constant 0 : i32
        %dma_wait3A_285 = tpu.memref_slice %arg7[%dma_wait3A_283, %dma_wait3A_284] : memref<16x128xi32, #tpu.memory_space<vmem>> -> memref<1x128xi32, #tpu.memory_space<vmem>>
        %dma_wait3A_286 = arith.constant 0 : i32
        %dma_wait3A_287 = tpu.memref_slice %arg3[%run_scoped3A_75, %add3A_74, %dma_wait3A_286] : memref<2x6250x128xi32, #tpu.memory_space<hbm>> -> memref<1x1x128xi32, #tpu.memory_space<hbm>>
        %dma_wait3A_288 = tpu.memref_squeeze %dma_wait3A_287 : memref<1x1x128xi32, #tpu.memory_space<hbm>> -> memref<1x128xi32, #tpu.memory_space<hbm>>
        tpu.wait_dma2 semaphore(%run_scoped3A_266 : memref<!tpu.dma_semaphore, #tpu.memory_space<semaphore_mem>>) src(%dma_wait3A_288 : memref<1x128xi32, #tpu.memory_space<hbm>>) dst(%dma_wait3A_285 : memref<1x128xi32, #tpu.memory_space<vmem>>)
        tpu.yield
      }) : () -> ()
      %get3A = arith.constant 0 : i32
      %get3A_76 = arith.index_cast %get3A : i32 to index
      %get3A_77 = arith.constant 0 : index
      %get3A_78 = tpu.vector_load %arg7[%get3A_76, %get3A_77] {strides = array<i32>} : memref<16x128xi32, #tpu.memory_space<vmem>>, vector<16xi32>,
      %ge3A = vector.broadcast %mul3A_0 : i32 to vector<16xi32>
      %ge3A_79 = arith.cmpi sge, %get3A_78, %ge3A : vector<16xi32>
      %add3A_80 = arith.constant 25000 : i32
      %add3A_81 = arith.addi %mul3A_0, %add3A_80 : i32
      %lt3A_82 = vector.broadcast %add3A_81 : i32 to vector<16xi32>
      %lt3A_83 = arith.cmpi slt, %get3A_78, %lt3A_82 : vector<16xi32>
      %and3A_84 = arith.andi %ge3A_79, %lt3A_83 : vector<16xi1>
      %sub3A_85 = vector.broadcast %mul3A_0 : i32 to vector<16xi32>
      %sub3A_86 = arith.subi %get3A_78, %sub3A_85 : vector<16xi32>
      %and3A_87 = arith.constant 511 : i32
      %and3A_88 = vector.broadcast %and3A_87 : i32 to vector<16xi32>
      %and3A_89 = arith.andi %get3A_78, %and3A_88 : vector<16xi32>
      %add3A_90 = arith.constant 25000 : i32
      %add3A_91 = vector.broadcast %add3A_90 : i32 to vector<16xi32>
      %add3A_92 = arith.addi %add3A_91, %and3A_89 : vector<16xi32>
      %select_n3A = arith.select %and3A_84, %sub3A_86, %add3A_92 : vector<16xi1>, vector<16xi32>
      %swap3A = arith.constant 0 : i32
      %swap3A_93 = arith.index_cast %swap3A : i32 to index
      %swap3A_94 = arith.constant 0 : index
      %swap3A_95 = tpu.vector_load %arg7[%swap3A_93, %swap3A_94] {strides = array<i32>} : memref<16x128xi32, #tpu.memory_space<vmem>>, vector<16xi32>,
      tpu.vector_store %arg7[%swap3A_93, %swap3A_94], %select_n3A {strides = array<i32>} : memref<16x128xi32, #tpu.memory_space<vmem>>, vector<16xi32>,
      %get3A_96 = arith.constant 0 : i32
      %get3A_97 = arith.index_cast %get3A_96 : i32 to index
      %get3A_98 = arith.constant 16 : index
      %get3A_99 = tpu.vector_load %arg7[%get3A_97, %get3A_98] {strides = array<i32>} : memref<16x128xi32, #tpu.memory_space<vmem>>, vector<16xi32>,
      %ge3A_100 = vector.broadcast %mul3A_0 : i32 to vector<16xi32>
      %ge3A_101 = arith.cmpi sge, %get3A_99, %ge3A_100 : vector<16xi32>
      %add3A_102 = arith.constant 25000 : i32
      %add3A_103 = arith.addi %mul3A_0, %add3A_102 : i32
      %lt3A_104 = vector.broadcast %add3A_103 : i32 to vector<16xi32>
      %lt3A_105 = arith.cmpi slt, %get3A_99, %lt3A_104 : vector<16xi32>
      %and3A_106 = arith.andi %ge3A_101, %lt3A_105 : vector<16xi1>
      %sub3A_107 = vector.broadcast %mul3A_0 : i32 to vector<16xi32>
      %sub3A_108 = arith.subi %get3A_99, %sub3A_107 : vector<16xi32>
      %and3A_109 = arith.constant 511 : i32
      %and3A_110 = vector.broadcast %and3A_109 : i32 to vector<16xi32>
      %and3A_111 = arith.andi %get3A_99, %and3A_110 : vector<16xi32>
      %add3A_112 = arith.constant 25000 : i32
      %add3A_113 = vector.broadcast %add3A_112 : i32 to vector<16xi32>
      %add3A_114 = arith.addi %add3A_113, %and3A_111 : vector<16xi32>
      %select_n3A_115 = arith.select %and3A_106, %sub3A_108, %add3A_114 : vector<16xi1>, vector<16xi32>
      %swap3A_116 = arith.constant 0 : i32
      %swap3A_117 = arith.index_cast %swap3A_116 : i32 to index
      %swap3A_118 = arith.constant 16 : index
      %swap3A_119 = tpu.vector_load %arg7[%swap3A_117, %swap3A_118] {strides = array<i32>} : memref<16x128xi32, #tpu.memory_space<vmem>>, vector<16xi32>,
      tpu.vector_store %arg7[%swap3A_117, %swap3A_118], %select_n3A_115 {strides = array<i32>} : memref<16x128xi32, #tpu.memory_space<vmem>>, vector<16xi32>,
      %get3A_120 = arith.constant 0 : i32
      %get3A_121 = arith.index_cast %get3A_120 : i32 to index
      %get3A_122 = arith.constant 32 : index
      %get3A_123 = tpu.vector_load %arg7[%get3A_121, %get3A_122] {strides = array<i32>} : memref<16x128xi32, #tpu.memory_space<vmem>>, vector<16xi32>,
      %ge3A_124 = vector.broadcast %mul3A_0 : i32 to vector<16xi32>
      %ge3A_125 = arith.cmpi sge, %get3A_123, %ge3A_124 : vector<16xi32>
      %add3A_126 = arith.constant 25000 : i32
      %add3A_127 = arith.addi %mul3A_0, %add3A_126 : i32
      %lt3A_128 = vector.broadcast %add3A_127 : i32 to vector<16xi32>
      %lt3A_129 = arith.cmpi slt, %get3A_123, %lt3A_128 : vector<16xi32>
      %and3A_130 = arith.andi %ge3A_125, %lt3A_129 : vector<16xi1>
      %sub3A_131 = vector.broadcast %mul3A_0 : i32 to vector<16xi32>
      %sub3A_132 = arith.subi %get3A_123, %sub3A_131 : vector<16xi32>
      %and3A_133 = arith.constant 511 : i32
      %and3A_134 = vector.broadcast %and3A_133 : i32 to vector<16xi32>
      %and3A_135 = arith.andi %get3A_123, %and3A_134 : vector<16xi32>
      %add3A_136 = arith.constant 25000 : i32
      %add3A_137 = vector.broadcast %add3A_136 : i32 to vector<16xi32>
      %add3A_138 = arith.addi %add3A_137, %and3A_135 : vector<16xi32>
      %select_n3A_139 = arith.select %and3A_130, %sub3A_132, %add3A_138 : vector<16xi1>, vector<16xi32>
      %swap3A_140 = arith.constant 0 : i32
      %swap3A_141 = arith.index_cast %swap3A_140 : i32 to index
      %swap3A_142 = arith.constant 32 : index
      %swap3A_143 = tpu.vector_load %arg7[%swap3A_141, %swap3A_142] {strides = array<i32>} : memref<16x128xi32, #tpu.memory_space<vmem>>, vector<16xi32>,
      tpu.vector_store %arg7[%swap3A_141, %swap3A_142], %select_n3A_139 {strides = array<i32>} : memref<16x128xi32, #tpu.memory_space<vmem>>, vector<16xi32>,
      %get3A_144 = arith.constant 0 : i32
      %get3A_145 = arith.index_cast %get3A_144 : i32 to index
      %get3A_146 = arith.constant 48 : index
      %get3A_147 = tpu.vector_load %arg7[%get3A_145, %get3A_146] {strides = array<i32>} : memref<16x128xi32, #tpu.memory_space<vmem>>, vector<16xi32>,
      %ge3A_148 = vector.broadcast %mul3A_0 : i32 to vector<16xi32>
      %ge3A_149 = arith.cmpi sge, %get3A_147, %ge3A_148 : vector<16xi32>
      %add3A_150 = arith.constant 25000 : i32
      %add3A_151 = arith.addi %mul3A_0, %add3A_150 : i32
      %lt3A_152 = vector.broadcast %add3A_151 : i32 to vector<16xi32>
      %lt3A_153 = arith.cmpi slt, %get3A_147, %lt3A_152 : vector<16xi32>
      %and3A_154 = arith.andi %ge3A_149, %lt3A_153 : vector<16xi1>
      %sub3A_155 = vector.broadcast %mul3A_0 : i32 to vector<16xi32>
      %sub3A_156 = arith.subi %get3A_147, %sub3A_155 : vector<16xi32>
      %and3A_157 = arith.constant 511 : i32
      %and3A_158 = vector.broadcast %and3A_157 : i32 to vector<16xi32>
      %and3A_159 = arith.andi %get3A_147, %and3A_158 : vector<16xi32>
      %add3A_160 = arith.constant 25000 : i32
      %add3A_161 = vector.broadcast %add3A_160 : i32 to vector<16xi32>
      %add3A_162 = arith.addi %add3A_161, %and3A_159 : vector<16xi32>
      %select_n3A_163 = arith.select %and3A_154, %sub3A_156, %add3A_162 : vector<16xi1>, vector<16xi32>
      %swap3A_164 = arith.constant 0 : i32
      %swap3A_165 = arith.index_cast %swap3A_164 : i32 to index
      %swap3A_166 = arith.constant 48 : index
      %swap3A_167 = tpu.vector_load %arg7[%swap3A_165, %swap3A_166] {strides = array<i32>} : memref<16x128xi32, #tpu.memory_space<vmem>>, vector<16xi32>,
      tpu.vector_store %arg7[%swap3A_165, %swap3A_166], %select_n3A_163 {strides = array<i32>} : memref<16x128xi32, #tpu.memory_space<vmem>>, vector<16xi32>,
      %get3A_168 = arith.constant 0 : i32
      %get3A_169 = arith.index_cast %get3A_168 : i32 to index
      %get3A_170 = arith.constant 64 : index
      %get3A_171 = tpu.vector_load %arg7[%get3A_169, %get3A_170] {strides = array<i32>} : memref<16x128xi32, #tpu.memory_space<vmem>>, vector<16xi32>,
      %ge3A_172 = vector.broadcast %mul3A_0 : i32 to vector<16xi32>
      %ge3A_173 = arith.cmpi sge, %get3A_171, %ge3A_172 : vector<16xi32>
      %add3A_174 = arith.constant 25000 : i32
      %add3A_175 = arith.addi %mul3A_0, %add3A_174 : i32
      %lt3A_176 = vector.broadcast %add3A_175 : i32 to vector<16xi32>
      %lt3A_177 = arith.cmpi slt, %get3A_171, %lt3A_176 : vector<16xi32>
      %and3A_178 = arith.andi %ge3A_173, %lt3A_177 : vector<16xi1>
      %sub3A_179 = vector.broadcast %mul3A_0 : i32 to vector<16xi32>
      %sub3A_180 = arith.subi %get3A_171, %sub3A_179 : vector<16xi32>
      %and3A_181 = arith.constant 511 : i32
      %and3A_182 = vector.broadcast %and3A_181 : i32 to vector<16xi32>
      %and3A_183 = arith.andi %get3A_171, %and3A_182 : vector<16xi32>
      %add3A_184 = arith.constant 25000 : i32
      %add3A_185 = vector.broadcast %add3A_184 : i32 to vector<16xi32>
      %add3A_186 = arith.addi %add3A_185, %and3A_183 : vector<16xi32>
      %select_n3A_187 = arith.select %and3A_178, %sub3A_180, %add3A_186 : vector<16xi1>, vector<16xi32>
      %swap3A_188 = arith.constant 0 : i32
      %swap3A_189 = arith.index_cast %swap3A_188 : i32 to index
      %swap3A_190 = arith.constant 64 : index
      %swap3A_191 = tpu.vector_load %arg7[%swap3A_189, %swap3A_190] {strides = array<i32>} : memref<16x128xi32, #tpu.memory_space<vmem>>, vector<16xi32>,
      tpu.vector_store %arg7[%swap3A_189, %swap3A_190], %select_n3A_187 {strides = array<i32>} : memref<16x128xi32, #tpu.memory_space<vmem>>, vector<16xi32>,
      %get3A_192 = arith.constant 0 : i32
      %get3A_193 = arith.index_cast %get3A_192 : i32 to index
      %get3A_194 = arith.constant 80 : index
      %get3A_195 = tpu.vector_load %arg7[%get3A_193, %get3A_194] {strides = array<i32>} : memref<16x128xi32, #tpu.memory_space<vmem>>, vector<16xi32>,
      %ge3A_196 = vector.broadcast %mul3A_0 : i32 to vector<16xi32>
      %ge3A_197 = arith.cmpi sge, %get3A_195, %ge3A_196 : vector<16xi32>
      %add3A_198 = arith.constant 25000 : i32
      %add3A_199 = arith.addi %mul3A_0, %add3A_198 : i32
      %lt3A_200 = vector.broadcast %add3A_199 : i32 to vector<16xi32>
      %lt3A_201 = arith.cmpi slt, %get3A_195, %lt3A_200 : vector<16xi32>
      %and3A_202 = arith.andi %ge3A_197, %lt3A_201 : vector<16xi1>
      %sub3A_203 = vector.broadcast %mul3A_0 : i32 to vector<16xi32>
      %sub3A_204 = arith.subi %get3A_195, %sub3A_203 : vector<16xi32>
      %and3A_205 = arith.constant 511 : i32
      %and3A_206 = vector.broadcast %and3A_205 : i32 to vector<16xi32>
      %and3A_207 = arith.andi %get3A_195, %and3A_206 : vector<16xi32>
      %add3A_208 = arith.constant 25000 : i32
      %add3A_209 = vector.broadcast %add3A_208 : i32 to vector<16xi32>
      %add3A_210 = arith.addi %add3A_209, %and3A_207 : vector<16xi32>
      %select_n3A_211 = arith.select %and3A_202, %sub3A_204, %add3A_210 : vector<16xi1>, vector<16xi32>
      %swap3A_212 = arith.constant 0 : i32
      %swap3A_213 = arith.index_cast %swap3A_212 : i32 to index
      %swap3A_214 = arith.constant 80 : index
      %swap3A_215 = tpu.vector_load %arg7[%swap3A_213, %swap3A_214] {strides = array<i32>} : memref<16x128xi32, #tpu.memory_space<vmem>>, vector<16xi32>,
      tpu.vector_store %arg7[%swap3A_213, %swap3A_214], %select_n3A_211 {strides = array<i32>} : memref<16x128xi32, #tpu.memory_space<vmem>>, vector<16xi32>,
      %get3A_216 = arith.constant 0 : i32
      %get3A_217 = arith.index_cast %get3A_216 : i32 to index
      %get3A_218 = arith.constant 96 : index
      %get3A_219 = tpu.vector_load %arg7[%get3A_217, %get3A_218] {strides = array<i32>} : memref<16x128xi32, #tpu.memory_space<vmem>>, vector<16xi32>,
      %ge3A_220 = vector.broadcast %mul3A_0 : i32 to vector<16xi32>
      %ge3A_221 = arith.cmpi sge, %get3A_219, %ge3A_220 : vector<16xi32>
      %add3A_222 = arith.constant 25000 : i32
      %add3A_223 = arith.addi %mul3A_0, %add3A_222 : i32
      %lt3A_224 = vector.broadcast %add3A_223 : i32 to vector<16xi32>
      %lt3A_225 = arith.cmpi slt, %get3A_219, %lt3A_224 : vector<16xi32>
      %and3A_226 = arith.andi %ge3A_221, %lt3A_225 : vector<16xi1>
      %sub3A_227 = vector.broadcast %mul3A_0 : i32 to vector<16xi32>
      %sub3A_228 = arith.subi %get3A_219, %sub3A_227 : vector<16xi32>
      %and3A_229 = arith.constant 511 : i32
      %and3A_230 = vector.broadcast %and3A_229 : i32 to vector<16xi32>
      %and3A_231 = arith.andi %get3A_219, %and3A_230 : vector<16xi32>
      %add3A_232 = arith.constant 25000 : i32
      %add3A_233 = vector.broadcast %add3A_232 : i32 to vector<16xi32>
      %add3A_234 = arith.addi %add3A_233, %and3A_231 : vector<16xi32>
      %select_n3A_235 = arith.select %and3A_226, %sub3A_228, %add3A_234 : vector<16xi1>, vector<16xi32>
      %swap3A_236 = arith.constant 0 : i32
      %swap3A_237 = arith.index_cast %swap3A_236 : i32 to index
      %swap3A_238 = arith.constant 96 : index
      %swap3A_239 = tpu.vector_load %arg7[%swap3A_237, %swap3A_238] {strides = array<i32>} : memref<16x128xi32, #tpu.memory_space<vmem>>, vector<16xi32>,
      tpu.vector_store %arg7[%swap3A_237, %swap3A_238], %select_n3A_235 {strides = array<i32>} : memref<16x128xi32, #tpu.memory_space<vmem>>, vector<16xi32>,
      %get3A_240 = arith.constant 0 : i32
      %get3A_241 = arith.index_cast %get3A_240 : i32 to index
      %get3A_242 = arith.constant 112 : index
      %get3A_243 = tpu.vector_load %arg7[%get3A_241, %get3A_242] {strides = array<i32>} : memref<16x128xi32, #tpu.memory_space<vmem>>, vector<16xi32>,
      %ge3A_244 = vector.broadcast %mul3A_0 : i32 to vector<16xi32>
      %ge3A_245 = arith.cmpi sge, %get3A_243, %ge3A_244 : vector<16xi32>
      %add3A_246 = arith.constant 25000 : i32
      %add3A_247 = arith.addi %mul3A_0, %add3A_246 : i32
      %lt3A_248 = vector.broadcast %add3A_247 : i32 to vector<16xi32>
      %lt3A_249 = arith.cmpi slt, %get3A_243, %lt3A_248 : vector<16xi32>
      %and3A_250 = arith.andi %ge3A_245, %lt3A_249 : vector<16xi1>
      %sub3A_251 = vector.broadcast %mul3A_0 : i32 to vector<16xi32>
      %sub3A_252 = arith.subi %get3A_243, %sub3A_251 : vector<16xi32>
      %and3A_253 = arith.constant 511 : i32
      %and3A_254 = vector.broadcast %and3A_253 : i32 to vector<16xi32>
      %and3A_255 = arith.andi %get3A_243, %and3A_254 : vector<16xi32>
      %add3A_256 = arith.constant 25000 : i32
      %add3A_257 = vector.broadcast %add3A_256 : i32 to vector<16xi32>
      %add3A_258 = arith.addi %add3A_257, %and3A_255 : vector<16xi32>
      %select_n3A_259 = arith.select %and3A_250, %sub3A_252, %add3A_258 : vector<16xi1>, vector<16xi32>
      %swap3A_260 = arith.constant 0 : i32
      %swap3A_261 = arith.index_cast %swap3A_260 : i32 to index
      %swap3A_262 = arith.constant 112 : index
      %swap3A_263 = tpu.vector_load %arg7[%swap3A_261, %swap3A_262] {strides = array<i32>} : memref<16x128xi32, #tpu.memory_space<vmem>>, vector<16xi32>,
      tpu.vector_store %arg7[%swap3A_261, %swap3A_262], %select_n3A_259 {strides = array<i32>} : memref<16x128xi32, #tpu.memory_space<vmem>>, vector<16xi32>,
      %run_scoped3A_264 = arith.constant 0 : i32
      "tpu.region"() ({
        %run_scoped3A_266 = tpu.sem_alloc : memref<!tpu.dma_semaphore, #tpu.memory_space<semaphore_mem>>
        %dma_start3A = arith.constant 0 : i32
        %dma_start3A_267 = tpu.memref_slice %arg6[%run_scoped3A_264, %dma_start3A] : memref<16x128xi32, #tpu.memory_space<vmem>> -> memref<1x128xi32, #tpu.memory_space<vmem>>
        %dma_start3A_268 = tpu.memref_squeeze %dma_start3A_267 : memref<1x128xi32, #tpu.memory_space<vmem>> -> memref<128xi32, #tpu.memory_space<vmem>>
        %dma_start3A_269 = arith.constant 0 : i32
        %dma_start3A_270 = arith.constant 0 : i32
        %dma_start3A_271 = tpu.memref_slice %arg2[%dma_start3A_269, %dma_start3A_270] : memref<50000x64xf32, #tpu.memory_space<hbm>> -> memref<50000x64xf32, #tpu.memory_space<hbm>>
        tpu.enqueue_indirect_dma source(%dma_start3A_271 : memref<50000x64xf32, #tpu.memory_space<hbm>>) target(%arg10 : memref<128x64xf32, #tpu.memory_space<vmem>>) offsets(%dma_start3A_268 : memref<128xi32, #tpu.memory_space<vmem>>) semaphore(%run_scoped3A_266 : memref<!tpu.dma_semaphore, #tpu.memory_space<semaphore_mem>>)
        %dma_wait3A = arith.constant 0 : i32
        %dma_wait3A_272 = tpu.memref_slice %arg6[%run_scoped3A_264, %dma_wait3A] : memref<16x128xi32, #tpu.memory_space<vmem>> -> memref<1x128xi32, #tpu.memory_space<vmem>>
        %dma_wait3A_273 = tpu.memref_squeeze %dma_wait3A_272 : memref<1x128xi32, #tpu.memory_space<vmem>> -> memref<128xi32, #tpu.memory_space<vmem>>
        %dma_wait3A_274 = arith.constant 0 : i32
        %dma_wait3A_275 = arith.constant 0 : i32
        %dma_wait3A_276 = tpu.memref_slice %arg2[%dma_wait3A_274, %dma_wait3A_275] : memref<50000x64xf32, #tpu.memory_space<hbm>> -> memref<50000x64xf32, #tpu.memory_space<hbm>>
        tpu.wait_indirect_dma semaphore(%run_scoped3A_266 : memref<!tpu.dma_semaphore, #tpu.memory_space<semaphore_mem>>) src(%dma_wait3A_276 : memref<50000x64xf32, #tpu.memory_space<hbm>>) dst(%arg10 : memref<128x64xf32, #tpu.memory_space<vmem>>)
        tpu.yield
      }) : () -> ()
      %run_scoped3A_265 = arith.constant 0 : i32
      "tpu.region"() ({
        %run_scoped3A_266 = tpu.sem_alloc : memref<!tpu.dma_semaphore, #tpu.memory_space<semaphore_mem>>
        %dma_start3A = arith.constant 0 : i32
        %dma_start3A_267 = tpu.memref_slice %arg7[%run_scoped3A_265, %dma_start3A] : memref<16x128xi32, #tpu.memory_space<vmem>> -> memref<1x128xi32, #tpu.memory_space<vmem>>
        %dma_start3A_268 = tpu.memref_squeeze %dma_start3A_267 : memref<1x128xi32, #tpu.memory_space<vmem>> -> memref<128xi32, #tpu.memory_space<vmem>>
        %dma_start3A_269 = arith.constant 0 : i32
        %dma_start3A_270 = arith.constant 0 : i32
        %dma_start3A_271 = tpu.memref_slice %arg16[%dma_start3A_269, %dma_start3A_270] : memref<25600x64xf32, #tpu.memory_space<vmem_shared>> -> memref<25600x64xf32, #tpu.memory_space<vmem_shared>>
        tpu.enqueue_indirect_dma source(%arg10 : memref<128x64xf32, #tpu.memory_space<vmem>>) target(%dma_start3A_271 : memref<25600x64xf32, #tpu.memory_space<vmem_shared>>) offsets(%dma_start3A_268 : memref<128xi32, #tpu.memory_space<vmem>>) semaphore(%run_scoped3A_266 : memref<!tpu.dma_semaphore, #tpu.memory_space<semaphore_mem>>) {add = true}
        %dma_wait3A = arith.constant 0 : i32
        %dma_wait3A_272 = tpu.memref_slice %arg7[%run_scoped3A_265, %dma_wait3A] : memref<16x128xi32, #tpu.memory_space<vmem>> -> memref<1x128xi32, #tpu.memory_space<vmem>>
        %dma_wait3A_273 = tpu.memref_squeeze %dma_wait3A_272 : memref<1x128xi32, #tpu.memory_space<vmem>> -> memref<128xi32, #tpu.memory_space<vmem>>
        %dma_wait3A_274 = arith.constant 0 : i32
        %dma_wait3A_275 = arith.constant 0 : i32
        %dma_wait3A_276 = tpu.memref_slice %arg16[%dma_wait3A_274, %dma_wait3A_275] : memref<25600x64xf32, #tpu.memory_space<vmem_shared>> -> memref<25600x64xf32, #tpu.memory_space<vmem_shared>>
        tpu.wait_indirect_dma semaphore(%run_scoped3A_266 : memref<!tpu.dma_semaphore, #tpu.memory_space<semaphore_mem>>) src(%arg10 : memref<128x64xf32, #tpu.memory_space<vmem>>) dst(%dma_wait3A_276 : memref<25600x64xf32, #tpu.memory_space<vmem_shared>>)
        tpu.yield
      }) : () -> ()
    } else {
    }
    %barrier3A_65 = arith.constant 0 : index
    tpu.barrier barrier_id(%barrier3A_65)
    %mul3A_66 = arith.constant 1600 : i32
    %mul3A_67 = arith.muli %arg1, %mul3A_66 : i32
    %mul3A_68 = arith.constant 1600 : i32
    %mul3A_69 = arith.muli %arg1, %mul3A_68 : i32
    "tpu.region"() ({
      %run_scoped3A_70 = tpu.sem_alloc : memref<!tpu.dma_semaphore, #tpu.memory_space<semaphore_mem>>
      %dma_start3A = arith.constant 0 : i32
      %dma_start3A_71 = tpu.memref_slice %arg5[%arg0, %mul3A_69, %dma_start3A] : memref<2x25600x64xf32, #tpu.memory_space<hbm>> -> memref<1x1600x64xf32, #tpu.memory_space<hbm>>
      %dma_start3A_72 = tpu.memref_squeeze %dma_start3A_71 : memref<1x1600x64xf32, #tpu.memory_space<hbm>> -> memref<1600x64xf32, #tpu.memory_space<hbm>>
      %dma_start3A_73 = arith.constant 0 : i32
      %dma_start3A_74 = tpu.memref_slice %arg16[%mul3A_67, %dma_start3A_73] : memref<25600x64xf32, #tpu.memory_space<vmem_shared>> -> memref<1600x64xf32, #tpu.memory_space<vmem_shared>>
      tpu.enqueue_dma source(%dma_start3A_74 : memref<1600x64xf32, #tpu.memory_space<vmem_shared>>) target(%dma_start3A_72 : memref<1600x64xf32, #tpu.memory_space<hbm>>) target_semaphore(%run_scoped3A_70 : memref<!tpu.dma_semaphore, #tpu.memory_space<semaphore_mem>>)
      %dma_wait3A = arith.constant 0 : i32
      %dma_wait3A_75 = tpu.memref_slice %arg5[%arg0, %mul3A_69, %dma_wait3A] : memref<2x25600x64xf32, #tpu.memory_space<hbm>> -> memref<1x1600x64xf32, #tpu.memory_space<hbm>>
      %dma_wait3A_76 = tpu.memref_squeeze %dma_wait3A_75 : memref<1x1600x64xf32, #tpu.memory_space<hbm>> -> memref<1600x64xf32, #tpu.memory_space<hbm>>
      %dma_wait3A_77 = arith.constant 0 : i32
      %dma_wait3A_78 = tpu.memref_slice %arg16[%mul3A_67, %dma_wait3A_77] : memref<25600x64xf32, #tpu.memory_space<vmem_shared>> -> memref<1600x64xf32, #tpu.memory_space<vmem_shared>>
      tpu.wait_dma2 semaphore(%run_scoped3A_70 : memref<!tpu.dma_semaphore, #tpu.memory_space<semaphore_mem>>) src(%dma_wait3A_78 : memref<1600x64xf32, #tpu.memory_space<vmem_shared>>) dst(%dma_wait3A_76 : memref<1600x64xf32, #tpu.memory_space<hbm>>)
      tpu.yield
    }) : () -> ()
    return
  }
}

#map = affine_map<(d0, d1) -> (0, 0, 0)>
#map1 = affine_map<(d0, d1) -> (0, 0)>
module attributes {stable_mosaic.version = 14 : i64} {
  func.func @_deg_kernel(%arg0: i32, %arg1: i32, %arg2: memref<2x6250x128xi32, #tpu.memory_space<hbm>>, %arg3: memref<128x16xf32, #tpu.memory_space<hbm>>, %arg4: memref<3125x16xf32, #tpu.memory_space<hbm>>, %arg5: memref<2x50000x16xf32, #tpu.memory_space<hbm>>, %arg6: memref<390x128xi32, #tpu.memory_space<vmem>>, %arg7: memref<128x16xf32, #tpu.memory_space<vmem>>, %arg8: memref<!tpu.dma_semaphore, #tpu.memory_space<semaphore_mem>>, %arg9: memref<50000x16xf32, #tpu.memory_space<vmem_shared>>) attributes {dimension_semantics = [#tpu.dimension_semantics<core_parallel>, #tpu.dimension_semantics<subcore_parallel>], iteration_bounds = array<i64: 2, 16>, scalar_prefetch = 0 : i64, scratch_operands = 4 : i64, tpu.core_type = #tpu.core_type<sc_vector_subcore>, window_params = [{transform_indices = #map}, {transform_indices = #map1}, {transform_indices = #map1}, {transform_indices = #map}]} {
    "tpu.region"() ({
      %run_scoped3A = tpu.sem_alloc : memref<!tpu.dma_semaphore, #tpu.memory_space<semaphore_mem>>
      tpu.enqueue_dma source(%arg3 : memref<128x16xf32, #tpu.memory_space<hbm>>) target(%arg7 : memref<128x16xf32, #tpu.memory_space<vmem>>) target_semaphore(%run_scoped3A : memref<!tpu.dma_semaphore, #tpu.memory_space<semaphore_mem>>)
      tpu.wait_dma2 semaphore(%run_scoped3A : memref<!tpu.dma_semaphore, #tpu.memory_space<semaphore_mem>>) src(%arg3 : memref<128x16xf32, #tpu.memory_space<hbm>>) dst(%arg7 : memref<128x16xf32, #tpu.memory_space<vmem>>)
      tpu.yield
    }) : () -> ()
    %mul3A = arith.constant 3125 : i32
    %mul3A_0 = arith.muli %arg1, %mul3A : i32
    "tpu.region"() ({
      %run_scoped3A = tpu.sem_alloc : memref<!tpu.dma_semaphore, #tpu.memory_space<semaphore_mem>>
      %dma_start3A = arith.constant 0 : i32
      %dma_start3A_21 = tpu.memref_slice %arg9[%mul3A_0, %dma_start3A] : memref<50000x16xf32, #tpu.memory_space<vmem_shared>> -> memref<3125x16xf32, #tpu.memory_space<vmem_shared>>
      tpu.enqueue_dma source(%arg4 : memref<3125x16xf32, #tpu.memory_space<hbm>>) target(%dma_start3A_21 : memref<3125x16xf32, #tpu.memory_space<vmem_shared>>) target_semaphore(%run_scoped3A : memref<!tpu.dma_semaphore, #tpu.memory_space<semaphore_mem>>)
      %dma_wait3A = arith.constant 0 : i32
      %dma_wait3A_22 = tpu.memref_slice %arg9[%mul3A_0, %dma_wait3A] : memref<50000x16xf32, #tpu.memory_space<vmem_shared>> -> memref<3125x16xf32, #tpu.memory_space<vmem_shared>>
      tpu.wait_dma2 semaphore(%run_scoped3A : memref<!tpu.dma_semaphore, #tpu.memory_space<semaphore_mem>>) src(%arg4 : memref<3125x16xf32, #tpu.memory_space<hbm>>) dst(%dma_wait3A_22 : memref<3125x16xf32, #tpu.memory_space<vmem_shared>>)
      tpu.yield
    }) : () -> ()
    %mul3A_1 = arith.constant 390 : i32
    %mul3A_2 = arith.muli %arg1, %mul3A_1 : i32
    "tpu.region"() ({
      %run_scoped3A = tpu.sem_alloc : memref<!tpu.dma_semaphore, #tpu.memory_space<semaphore_mem>>
      %dma_start3A = arith.constant 0 : i32
      %dma_start3A_21 = tpu.memref_slice %arg2[%arg0, %mul3A_2, %dma_start3A] : memref<2x6250x128xi32, #tpu.memory_space<hbm>> -> memref<1x390x128xi32, #tpu.memory_space<hbm>>
      %dma_start3A_22 = tpu.memref_squeeze %dma_start3A_21 : memref<1x390x128xi32, #tpu.memory_space<hbm>> -> memref<390x128xi32, #tpu.memory_space<hbm>>
      %dma_start3A_23 = arith.constant 0 : i32
      %dma_start3A_24 = tpu.memref_slice %arg2[%arg0, %mul3A_2, %dma_start3A_23] : memref<2x6250x128xi32, #tpu.memory_space<hbm>> -> memref<1x390x128xi32, #tpu.memory_space<hbm>>
      %dma_start3A_25 = tpu.memref_squeeze %dma_start3A_24 : memref<1x390x128xi32, #tpu.memory_space<hbm>> -> memref<390x128xi32, #tpu.memory_space<hbm>>
      tpu.enqueue_dma source(%dma_start3A_25 : memref<390x128xi32, #tpu.memory_space<hbm>>) target(%arg6 : memref<390x128xi32, #tpu.memory_space<vmem>>) target_semaphore(%run_scoped3A : memref<!tpu.dma_semaphore, #tpu.memory_space<semaphore_mem>>)
      %dma_wait3A = arith.constant 0 : i32
      %dma_wait3A_26 = tpu.memref_slice %arg2[%arg0, %mul3A_2, %dma_wait3A] : memref<2x6250x128xi32, #tpu.memory_space<hbm>> -> memref<1x390x128xi32, #tpu.memory_space<hbm>>
      %dma_wait3A_27 = tpu.memref_squeeze %dma_wait3A_26 : memref<1x390x128xi32, #tpu.memory_space<hbm>> -> memref<390x128xi32, #tpu.memory_space<hbm>>
      %dma_wait3A_28 = arith.constant 0 : i32
      %dma_wait3A_29 = tpu.memref_slice %arg2[%arg0, %mul3A_2, %dma_wait3A_28] : memref<2x6250x128xi32, #tpu.memory_space<hbm>> -> memref<1x390x128xi32, #tpu.memory_space<hbm>>
      %dma_wait3A_30 = tpu.memref_squeeze %dma_wait3A_29 : memref<1x390x128xi32, #tpu.memory_space<hbm>> -> memref<390x128xi32, #tpu.memory_space<hbm>>
      tpu.wait_dma2 semaphore(%run_scoped3A : memref<!tpu.dma_semaphore, #tpu.memory_space<semaphore_mem>>) src(%dma_wait3A_30 : memref<390x128xi32, #tpu.memory_space<hbm>>) dst(%arg6 : memref<390x128xi32, #tpu.memory_space<vmem>>)
      tpu.yield
    }) : () -> ()
    %barrier3A = arith.constant 0 : index
    tpu.barrier barrier_id(%barrier3A)
    %scan3A = arith.constant 0 : i32
    %scan3A_3 = arith.constant 0 : i32
    %scan3A_4 = arith.constant 390 : i32
    %scan3A_5 = arith.addi %scan3A_3, %scan3A_4 : i32
    %scan3A_6 = arith.constant 1 : i32
    scf.for %scan3A_21 = %scan3A_3 to %scan3A_5 step %scan3A_6  : i32 {
      %dma_start3A = arith.constant 0 : i32
      %dma_start3A_22 = tpu.memref_slice %arg6[%scan3A_21, %dma_start3A] : memref<390x128xi32, #tpu.memory_space<vmem>> -> memref<1x128xi32, #tpu.memory_space<vmem>>
      %dma_start3A_23 = tpu.memref_squeeze %dma_start3A_22 : memref<1x128xi32, #tpu.memory_space<vmem>> -> memref<128xi32, #tpu.memory_space<vmem>>
      %dma_start3A_24 = arith.constant 0 : i32
      %dma_start3A_25 = arith.constant 0 : i32
      %dma_start3A_26 = tpu.memref_slice %arg9[%dma_start3A_24, %dma_start3A_25] : memref<50000x16xf32, #tpu.memory_space<vmem_shared>> -> memref<50000x16xf32, #tpu.memory_space<vmem_shared>>
      tpu.enqueue_indirect_dma source(%arg7 : memref<128x16xf32, #tpu.memory_space<vmem>>) target(%dma_start3A_26 : memref<50000x16xf32, #tpu.memory_space<vmem_shared>>) offsets(%dma_start3A_23 : memref<128xi32, #tpu.memory_space<vmem>>) semaphore(%arg8 : memref<!tpu.dma_semaphore, #tpu.memory_space<semaphore_mem>>) {add = true}
      %ge3A = arith.constant 6 : i32
      %ge3A_27 = arith.cmpi sge, %scan3A_21, %ge3A : i32
      %convert_element_type3A_28 = arith.extui %ge3A_27 : i1 to i32
      %cond3A_29 = arith.constant 0 : i32
      %cond3A_30 = arith.cmpi ne, %convert_element_type3A_28, %cond3A_29 : i32
      scf.if %cond3A_30 {
        %dma_wait3A = arith.constant 0 : i32
        %dma_wait3A_31 = tpu.memref_slice %arg6[%scan3A_21, %dma_wait3A] : memref<390x128xi32, #tpu.memory_space<vmem>> -> memref<1x128xi32, #tpu.memory_space<vmem>>
        %dma_wait3A_32 = tpu.memref_squeeze %dma_wait3A_31 : memref<1x128xi32, #tpu.memory_space<vmem>> -> memref<128xi32, #tpu.memory_space<vmem>>
        %dma_wait3A_33 = arith.constant 0 : i32
        %dma_wait3A_34 = arith.constant 0 : i32
        %dma_wait3A_35 = tpu.memref_slice %arg9[%dma_wait3A_33, %dma_wait3A_34] : memref<50000x16xf32, #tpu.memory_space<vmem_shared>> -> memref<50000x16xf32, #tpu.memory_space<vmem_shared>>
        tpu.wait_indirect_dma semaphore(%arg8 : memref<!tpu.dma_semaphore, #tpu.memory_space<semaphore_mem>>) src(%arg7 : memref<128x16xf32, #tpu.memory_space<vmem>>) dst(%dma_wait3A_35 : memref<50000x16xf32, #tpu.memory_space<vmem_shared>>)
      } else {
      }
    }
    %scan3A_7 = arith.constant 390 : i32
    %scan3A_8 = arith.constant 0 : i32
    %scan3A_9 = arith.constant 0 : i32
    %scan3A_10 = arith.constant 6 : i32
    %scan3A_11 = arith.addi %scan3A_9, %scan3A_10 : i32
    %scan3A_12 = arith.constant 1 : i32
    scf.for %scan3A_21 = %scan3A_9 to %scan3A_11 step %scan3A_12  : i32 {
      %dma_wait3A = arith.constant 0 : i32
      %dma_wait3A_22 = arith.constant 0 : i32
      %dma_wait3A_23 = tpu.memref_slice %arg6[%dma_wait3A, %dma_wait3A_22] : memref<390x128xi32, #tpu.memory_space<vmem>> -> memref<1x128xi32, #tpu.memory_space<vmem>>
      %dma_wait3A_24 = tpu.memref_squeeze %dma_wait3A_23 : memref<1x128xi32, #tpu.memory_space<vmem>> -> memref<128xi32, #tpu.memory_space<vmem>>
      %dma_wait3A_25 = arith.constant 0 : i32
      %dma_wait3A_26 = arith.constant 0 : i32
      %dma_wait3A_27 = tpu.memref_slice %arg9[%dma_wait3A_25, %dma_wait3A_26] : memref<50000x16xf32, #tpu.memory_space<vmem_shared>> -> memref<50000x16xf32, #tpu.memory_space<vmem_shared>>
      tpu.wait_indirect_dma semaphore(%arg8 : memref<!tpu.dma_semaphore, #tpu.memory_space<semaphore_mem>>) src(%arg7 : memref<128x16xf32, #tpu.memory_space<vmem>>) dst(%dma_wait3A_27 : memref<50000x16xf32, #tpu.memory_space<vmem_shared>>)
    }
    %scan3A_13 = arith.constant 6 : i32
    %lt3A = arith.constant 10 : i32
    %lt3A_14 = arith.cmpi slt, %arg1, %lt3A : i32
    %convert_element_type3A = arith.extui %lt3A_14 : i1 to i32
    %cond3A = arith.constant 0 : i32
    %cond3A_15 = arith.cmpi ne, %convert_element_type3A, %cond3A : i32
    scf.if %cond3A_15 {
      %add3A = arith.constant 6240 : i32
      %add3A_21 = arith.addi %add3A, %arg1 : i32
      "tpu.region"() ({
        %run_scoped3A_22 = tpu.sem_alloc : memref<!tpu.dma_semaphore, #tpu.memory_space<semaphore_mem>>
        %dma_start3A = arith.constant 0 : i32
        %dma_start3A_23 = arith.constant 0 : i32
        %dma_start3A_24 = tpu.memref_slice %arg6[%dma_start3A, %dma_start3A_23] : memref<390x128xi32, #tpu.memory_space<vmem>> -> memref<1x128xi32, #tpu.memory_space<vmem>>
        %dma_start3A_25 = arith.constant 0 : i32
        %dma_start3A_26 = tpu.memref_slice %arg2[%arg0, %add3A_21, %dma_start3A_25] : memref<2x6250x128xi32, #tpu.memory_space<hbm>> -> memref<1x1x128xi32, #tpu.memory_space<hbm>>
        %dma_start3A_27 = tpu.memref_squeeze %dma_start3A_26 : memref<1x1x128xi32, #tpu.memory_space<hbm>> -> memref<1x128xi32, #tpu.memory_space<hbm>>
        %dma_start3A_28 = arith.constant 0 : i32
        %dma_start3A_29 = arith.constant 0 : i32
        %dma_start3A_30 = tpu.memref_slice %arg6[%dma_start3A_28, %dma_start3A_29] : memref<390x128xi32, #tpu.memory_space<vmem>> -> memref<1x128xi32, #tpu.memory_space<vmem>>
        %dma_start3A_31 = arith.constant 0 : i32
        %dma_start3A_32 = tpu.memref_slice %arg2[%arg0, %add3A_21, %dma_start3A_31] : memref<2x6250x128xi32, #tpu.memory_space<hbm>> -> memref<1x1x128xi32, #tpu.memory_space<hbm>>
        %dma_start3A_33 = tpu.memref_squeeze %dma_start3A_32 : memref<1x1x128xi32, #tpu.memory_space<hbm>> -> memref<1x128xi32, #tpu.memory_space<hbm>>
        tpu.enqueue_dma source(%dma_start3A_33 : memref<1x128xi32, #tpu.memory_space<hbm>>) target(%dma_start3A_30 : memref<1x128xi32, #tpu.memory_space<vmem>>) target_semaphore(%run_scoped3A_22 : memref<!tpu.dma_semaphore, #tpu.memory_space<semaphore_mem>>)
        %dma_wait3A = arith.constant 0 : i32
        %dma_wait3A_34 = arith.constant 0 : i32
        %dma_wait3A_35 = tpu.memref_slice %arg6[%dma_wait3A, %dma_wait3A_34] : memref<390x128xi32, #tpu.memory_space<vmem>> -> memref<1x128xi32, #tpu.memory_space<vmem>>
        %dma_wait3A_36 = arith.constant 0 : i32
        %dma_wait3A_37 = tpu.memref_slice %arg2[%arg0, %add3A_21, %dma_wait3A_36] : memref<2x6250x128xi32, #tpu.memory_space<hbm>> -> memref<1x1x128xi32, #tpu.memory_space<hbm>>
        %dma_wait3A_38 = tpu.memref_squeeze %dma_wait3A_37 : memref<1x1x128xi32, #tpu.memory_space<hbm>> -> memref<1x128xi32, #tpu.memory_space<hbm>>
        %dma_wait3A_39 = arith.constant 0 : i32
        %dma_wait3A_40 = arith.constant 0 : i32
        %dma_wait3A_41 = tpu.memref_slice %arg6[%dma_wait3A_39, %dma_wait3A_40] : memref<390x128xi32, #tpu.memory_space<vmem>> -> memref<1x128xi32, #tpu.memory_space<vmem>>
        %dma_wait3A_42 = arith.constant 0 : i32
        %dma_wait3A_43 = tpu.memref_slice %arg2[%arg0, %add3A_21, %dma_wait3A_42] : memref<2x6250x128xi32, #tpu.memory_space<hbm>> -> memref<1x1x128xi32, #tpu.memory_space<hbm>>
        %dma_wait3A_44 = tpu.memref_squeeze %dma_wait3A_43 : memref<1x1x128xi32, #tpu.memory_space<hbm>> -> memref<1x128xi32, #tpu.memory_space<hbm>>
        tpu.wait_dma2 semaphore(%run_scoped3A_22 : memref<!tpu.dma_semaphore, #tpu.memory_space<semaphore_mem>>) src(%dma_wait3A_44 : memref<1x128xi32, #tpu.memory_space<hbm>>) dst(%dma_wait3A_41 : memref<1x128xi32, #tpu.memory_space<vmem>>)
        tpu.yield
      }) : () -> ()
      %run_scoped3A = arith.constant 0 : i32
      "tpu.region"() ({
        %run_scoped3A_22 = tpu.sem_alloc : memref<!tpu.dma_semaphore, #tpu.memory_space<semaphore_mem>>
        %dma_start3A = arith.constant 0 : i32
        %dma_start3A_23 = tpu.memref_slice %arg6[%run_scoped3A, %dma_start3A] : memref<390x128xi32, #tpu.memory_space<vmem>> -> memref<1x128xi32, #tpu.memory_space<vmem>>
        %dma_start3A_24 = tpu.memref_squeeze %dma_start3A_23 : memref<1x128xi32, #tpu.memory_space<vmem>> -> memref<128xi32, #tpu.memory_space<vmem>>
        %dma_start3A_25 = arith.constant 0 : i32
        %dma_start3A_26 = arith.constant 0 : i32
        %dma_start3A_27 = tpu.memref_slice %arg9[%dma_start3A_25, %dma_start3A_26] : memref<50000x16xf32, #tpu.memory_space<vmem_shared>> -> memref<50000x16xf32, #tpu.memory_space<vmem_shared>>
        tpu.enqueue_indirect_dma source(%arg7 : memref<128x16xf32, #tpu.memory_space<vmem>>) target(%dma_start3A_27 : memref<50000x16xf32, #tpu.memory_space<vmem_shared>>) offsets(%dma_start3A_24 : memref<128xi32, #tpu.memory_space<vmem>>) semaphore(%run_scoped3A_22 : memref<!tpu.dma_semaphore, #tpu.memory_space<semaphore_mem>>) {add = true}
        %dma_wait3A = arith.constant 0 : i32
        %dma_wait3A_28 = tpu.memref_slice %arg6[%run_scoped3A, %dma_wait3A] : memref<390x128xi32, #tpu.memory_space<vmem>> -> memref<1x128xi32, #tpu.memory_space<vmem>>
        %dma_wait3A_29 = tpu.memref_squeeze %dma_wait3A_28 : memref<1x128xi32, #tpu.memory_space<vmem>> -> memref<128xi32, #tpu.memory_space<vmem>>
        %dma_wait3A_30 = arith.constant 0 : i32
        %dma_wait3A_31 = arith.constant 0 : i32
        %dma_wait3A_32 = tpu.memref_slice %arg9[%dma_wait3A_30, %dma_wait3A_31] : memref<50000x16xf32, #tpu.memory_space<vmem_shared>> -> memref<50000x16xf32, #tpu.memory_space<vmem_shared>>
        tpu.wait_indirect_dma semaphore(%run_scoped3A_22 : memref<!tpu.dma_semaphore, #tpu.memory_space<semaphore_mem>>) src(%arg7 : memref<128x16xf32, #tpu.memory_space<vmem>>) dst(%dma_wait3A_32 : memref<50000x16xf32, #tpu.memory_space<vmem_shared>>)
        tpu.yield
      }) : () -> ()
    } else {
    }
    %barrier3A_16 = arith.constant 0 : index
    tpu.barrier barrier_id(%barrier3A_16)
    %mul3A_17 = arith.constant 3125 : i32
    %mul3A_18 = arith.muli %arg1, %mul3A_17 : i32
    %mul3A_19 = arith.constant 3125 : i32
    %mul3A_20 = arith.muli %arg1, %mul3A_19 : i32
    "tpu.region"() ({
      %run_scoped3A = tpu.sem_alloc : memref<!tpu.dma_semaphore, #tpu.memory_space<semaphore_mem>>
      %dma_start3A = arith.constant 0 : i32
      %dma_start3A_21 = tpu.memref_slice %arg5[%arg0, %mul3A_20, %dma_start3A] : memref<2x50000x16xf32, #tpu.memory_space<hbm>> -> memref<1x3125x16xf32, #tpu.memory_space<hbm>>
      %dma_start3A_22 = tpu.memref_squeeze %dma_start3A_21 : memref<1x3125x16xf32, #tpu.memory_space<hbm>> -> memref<3125x16xf32, #tpu.memory_space<hbm>>
      %dma_start3A_23 = arith.constant 0 : i32
      %dma_start3A_24 = tpu.memref_slice %arg9[%mul3A_18, %dma_start3A_23] : memref<50000x16xf32, #tpu.memory_space<vmem_shared>> -> memref<3125x16xf32, #tpu.memory_space<vmem_shared>>
      tpu.enqueue_dma source(%dma_start3A_24 : memref<3125x16xf32, #tpu.memory_space<vmem_shared>>) target(%dma_start3A_22 : memref<3125x16xf32, #tpu.memory_space<hbm>>) target_semaphore(%run_scoped3A : memref<!tpu.dma_semaphore, #tpu.memory_space<semaphore_mem>>)
      %dma_wait3A = arith.constant 0 : i32
      %dma_wait3A_25 = tpu.memref_slice %arg5[%arg0, %mul3A_20, %dma_wait3A] : memref<2x50000x16xf32, #tpu.memory_space<hbm>> -> memref<1x3125x16xf32, #tpu.memory_space<hbm>>
      %dma_wait3A_26 = tpu.memref_squeeze %dma_wait3A_25 : memref<1x3125x16xf32, #tpu.memory_space<hbm>> -> memref<3125x16xf32, #tpu.memory_space<hbm>>
      %dma_wait3A_27 = arith.constant 0 : i32
      %dma_wait3A_28 = tpu.memref_slice %arg9[%mul3A_18, %dma_wait3A_27] : memref<50000x16xf32, #tpu.memory_space<vmem_shared>> -> memref<3125x16xf32, #tpu.memory_space<vmem_shared>>
      tpu.wait_dma2 semaphore(%run_scoped3A : memref<!tpu.dma_semaphore, #tpu.memory_space<semaphore_mem>>) src(%dma_wait3A_28 : memref<3125x16xf32, #tpu.memory_space<vmem_shared>>) dst(%dma_wait3A_26 : memref<3125x16xf32, #tpu.memory_space<hbm>>)
      tpu.yield
    }) : () -> ()
    return
  }
}

module attributes {stable_mosaic.version = 14 : i64} {
  func.func @_mm_body(%arg0: i32, %arg1: memref<2000x64xf32, #tpu.memory_space<vmem>>, %arg2: memref<1x2000x16xf32, #tpu.memory_space<vmem>>, %arg3: memref<64x64xf32, #tpu.memory_space<vmem>>, %arg4: memref<2000x64xf32, #tpu.memory_space<vmem>>) attributes {dimension_semantics = [#tpu.dimension_semantics<arbitrary>], iteration_bounds = array<i64: 25>, scalar_prefetch = 0 : i64, scratch_operands = 0 : i64, tpu.core_type = #tpu.core_type<tc>, window_params = [{transform_indices = @transform_0, window_bounds = array<i64: 2000, 64>}, {transform_indices = @transform_1, window_bounds = array<i64: 1, 2000, 16>}, {pipeline_mode = #tpu.pipeline_mode<synchronous>, transform_indices = @transform_2, window_bounds = array<i64: 64, 64>}, {transform_indices = @transform_3, window_bounds = array<i64: 2000, 64>}]} {
    %get3A = arith.constant 0 : index
    %get3A_0 = arith.constant 0 : index
    %get3A_1 = arith.constant 0 : index
    %get3A_2 = vector.load %arg2[%get3A, %get3A_0, %get3A_1] : memref<1x2000x16xf32, #tpu.memory_space<vmem>>, vector<1x2000x1xf32>
    %get3A_3 = vector.shape_cast %get3A_2 : vector<1x2000x1xf32> to vector<2000x1xf32>
    %jit3A = arith.constant 1.000000e+00 : f32
    %max3A = vector.broadcast %jit3A : f32 to vector<2000x1xf32>
    %max3A_4 = arith.maximumf %max3A, %get3A_3 : vector<2000x1xf32>
    %rsqrt3A = math.rsqrt %max3A_4 : vector<2000x1xf32>
    %get3A_5 = arith.constant 0 : index
    %get3A_6 = arith.constant 0 : index
    %get3A_7 = vector.load %arg1[%get3A_5, %get3A_6] : memref<2000x64xf32, #tpu.memory_space<vmem>>, vector<2000x64xf32>
    %mul3A = vector.broadcast %rsqrt3A : vector<2000x1xf32> to vector<2000x64xf32>
    %mul3A_8 = arith.mulf %get3A_7, %mul3A : vector<2000x64xf32>
    %get3A_9 = arith.constant 0 : index
    %get3A_10 = arith.constant 0 : index
    %get3A_11 = vector.load %arg3[%get3A_9, %get3A_10] : memref<64x64xf32, #tpu.memory_space<vmem>>, vector<64x64xf32>
    %dot_general3A = arith.constant dense<0.000000e+00> : vector<2000x64xf32>
    %dot_general3A_12 = tpu.matmul %mul3A_8, %get3A_11, %dot_general3A {dimension_numbers = #tpu.dot_dimension_numbers<[1], [0], [0], [1], [0, 0, 1, 1], [], []>, transpose_lhs_hint = false} : vector<2000x64xf32>, vector<64x64xf32>, vector<2000x64xf32> -> vector<2000x64xf32>
    %swap3A = arith.constant 0 : index
    %swap3A_13 = arith.constant 0 : index
    %swap3A_14 = vector.load %arg4[%swap3A, %swap3A_13] : memref<2000x64xf32, #tpu.memory_space<vmem>>, vector<2000x64xf32>
    tpu.vector_store %arg4[%swap3A, %swap3A_13], %dot_general3A_12 {strides = array<i32>} : memref<2000x64xf32, #tpu.memory_space<vmem>>, vector<2000x64xf32>,
    return
  }
  func.func @transform_0(%arg0: i32) -> (i32, i32) {
    %c0_i32 = arith.constant 0 : i32
    %c0_i32_0 = arith.constant 0 : i32
    return %arg0, %c0_i32 : i32, i32
  }
  func.func @transform_1(%arg0: i32) -> (i32, i32, i32) {
    %c0_i32 = arith.constant 0 : i32
    %c0_i32_0 = arith.constant 0 : i32
    %c0_i32_1 = arith.constant 0 : i32
    return %c0_i32, %arg0, %c0_i32_0 : i32, i32, i32
  }
  func.func @transform_2(%arg0: i32) -> (i32, i32) {
    %c0_i32 = arith.constant 0 : i32
    %c0_i32_0 = arith.constant 0 : i32
    %c0_i32_1 = arith.constant 0 : i32
    return %c0_i32, %c0_i32_0 : i32, i32
  }
  func.func @transform_3(%arg0: i32) -> (i32, i32) {
    %c0_i32 = arith.constant 0 : i32
    %c0_i32_0 = arith.constant 0 : i32
    return %arg0, %c0_i32 : i32, i32
  }
}

module attributes {stable_mosaic.version = 14 : i64} {
  func.func @_fin_body(%arg0: i32, %arg1: memref<1x1000x64xf32, #tpu.memory_space<vmem>>, %arg2: memref<1x1000x16xf32, #tpu.memory_space<vmem>>, %arg3: memref<1x64xf32, #tpu.memory_space<vmem>>, %arg4: memref<1000x64xf32, #tpu.memory_space<vmem>>) attributes {dimension_semantics = [#tpu.dimension_semantics<arbitrary>], iteration_bounds = array<i64: 50>, scalar_prefetch = 0 : i64, scratch_operands = 0 : i64, tpu.core_type = #tpu.core_type<tc>, window_params = [{transform_indices = @transform_0, window_bounds = array<i64: 1, 1000, 64>}, {transform_indices = @transform_1, window_bounds = array<i64: 1, 1000, 16>}, {pipeline_mode = #tpu.pipeline_mode<synchronous>, transform_indices = @transform_2, window_bounds = array<i64: 1, 64>}, {transform_indices = @transform_3, window_bounds = array<i64: 1000, 64>}]} {
    %get3A = arith.constant 0 : index
    %get3A_0 = arith.constant 0 : index
    %get3A_1 = arith.constant 0 : index
    %get3A_2 = vector.load %arg2[%get3A, %get3A_0, %get3A_1] : memref<1x1000x16xf32, #tpu.memory_space<vmem>>, vector<1x1000x1xf32>
    %get3A_3 = vector.shape_cast %get3A_2 : vector<1x1000x1xf32> to vector<1000x1xf32>
    %jit3A = arith.constant 1.000000e+00 : f32
    %max3A = vector.broadcast %jit3A : f32 to vector<1000x1xf32>
    %max3A_4 = arith.maximumf %max3A, %get3A_3 : vector<1000x1xf32>
    %rsqrt3A = math.rsqrt %max3A_4 : vector<1000x1xf32>
    %get3A_5 = arith.constant 0 : index
    %get3A_6 = arith.constant 0 : index
    %get3A_7 = arith.constant 0 : index
    %get3A_8 = vector.load %arg1[%get3A_5, %get3A_6, %get3A_7] : memref<1x1000x64xf32, #tpu.memory_space<vmem>>, vector<1x1000x64xf32>
    %get3A_9 = vector.shape_cast %get3A_8 : vector<1x1000x64xf32> to vector<1000x64xf32>
    %mul3A = vector.broadcast %rsqrt3A : vector<1000x1xf32> to vector<1000x64xf32>
    %mul3A_10 = arith.mulf %get3A_9, %mul3A : vector<1000x64xf32>
    %get3A_11 = arith.constant 0 : index
    %get3A_12 = arith.constant 0 : index
    %get3A_13 = vector.load %arg3[%get3A_11, %get3A_12] : memref<1x64xf32, #tpu.memory_space<vmem>>, vector<1x64xf32>
    %add3A = vector.broadcast %get3A_13 : vector<1x64xf32> to vector<1000x64xf32>
    %add3A_14 = arith.addf %mul3A_10, %add3A : vector<1000x64xf32>
    %swap3A = arith.constant 0 : index
    %swap3A_15 = arith.constant 0 : index
    %swap3A_16 = vector.load %arg4[%swap3A, %swap3A_15] : memref<1000x64xf32, #tpu.memory_space<vmem>>, vector<1000x64xf32>
    tpu.vector_store %arg4[%swap3A, %swap3A_15], %add3A_14 {strides = array<i32>} : memref<1000x64xf32, #tpu.memory_space<vmem>>, vector<1000x64xf32>,
    return
  }
  func.func @transform_0(%arg0: i32) -> (i32, i32, i32) {
    %jit3A = arith.constant 25 : i32
    %div3A = arith.divsi %arg0, %jit3A : i32
    %sign3A = arith.constant 0 : i32
    %sign3A_0 = arith.cmpi sgt, %arg0, %sign3A : i32
    %sign3A_1 = arith.extui %sign3A_0 : i1 to i32
    %sign3A_2 = arith.constant 0 : i32
    %sign3A_3 = arith.cmpi slt, %arg0, %sign3A_2 : i32
    %sign3A_4 = arith.extui %sign3A_3 : i1 to i32
    %sign3A_5 = arith.subi %sign3A_1, %sign3A_4 : i32
    %sign3A_6 = arith.constant 0 : i32
    %sign3A_7 = arith.cmpi sgt, %jit3A, %sign3A_6 : i32
    %sign3A_8 = arith.extui %sign3A_7 : i1 to i32
    %sign3A_9 = arith.constant 0 : i32
    %sign3A_10 = arith.cmpi slt, %jit3A, %sign3A_9 : i32
    %sign3A_11 = arith.extui %sign3A_10 : i1 to i32
    %sign3A_12 = arith.subi %sign3A_8, %sign3A_11 : i32
    %ne3A = arith.cmpi ne, %sign3A_5, %sign3A_12 : i32
    %rem3A = arith.remsi %arg0, %jit3A : i32
    %ne3A_13 = arith.constant 0 : i32
    %ne3A_14 = arith.cmpi ne, %rem3A, %ne3A_13 : i32
    %and3A = arith.andi %ne3A, %ne3A_14 : i1
    %sub3A = arith.constant 1 : i32
    %sub3A_15 = arith.subi %div3A, %sub3A : i32
    %select_n3A = arith.select %and3A, %sub3A_15, %div3A : i32
    %jit3A_16 = arith.constant 25 : i32
    %eq3A = arith.constant 0 : i32
    %eq3A_17 = arith.cmpi eq, %jit3A_16, %eq3A : i32
    %jit3A_18 = arith.constant 1 : i32
    %select_n3A_19 = arith.select %eq3A_17, %jit3A_18, %jit3A_16 : i32
    %rem3A_20 = arith.remsi %arg0, %select_n3A_19 : i32
    %ne3A_21 = arith.constant 0 : i32
    %ne3A_22 = arith.cmpi ne, %rem3A_20, %ne3A_21 : i32
    %lt3A = arith.constant 0 : i32
    %lt3A_23 = arith.cmpi slt, %rem3A_20, %lt3A : i32
    %lt3A_24 = arith.constant 0 : i32
    %lt3A_25 = arith.cmpi slt, %select_n3A_19, %lt3A_24 : i32
    %ne3A_26 = arith.xori %lt3A_23, %lt3A_25 : i1
    %and3A_27 = arith.andi %ne3A_26, %ne3A_22 : i1
    %add3A = arith.addi %rem3A_20, %select_n3A_19 : i32
    %select_n3A_28 = arith.select %and3A_27, %add3A, %rem3A_20 : i32
    %c0_i32 = arith.constant 0 : i32
    %c0_i32_29 = arith.constant 0 : i32
    return %select_n3A, %select_n3A_28, %c0_i32 : i32, i32, i32
  }
  func.func @transform_1(%arg0: i32) -> (i32, i32, i32) {
    %c1_i32 = arith.constant 1 : i32
    %c0_i32 = arith.constant 0 : i32
    %c0_i32_0 = arith.constant 0 : i32
    return %c1_i32, %arg0, %c0_i32 : i32, i32, i32
  }
  func.func @transform_2(%arg0: i32) -> (i32, i32) {
    %c0_i32 = arith.constant 0 : i32
    %c0_i32_0 = arith.constant 0 : i32
    %c0_i32_1 = arith.constant 0 : i32
    return %c0_i32, %c0_i32_0 : i32, i32
  }
  func.func @transform_3(%arg0: i32) -> (i32, i32) {
    %c0_i32 = arith.constant 0 : i32
    %c0_i32_0 = arith.constant 0 : i32
    return %arg0, %c0_i32 : i32, i32
  }
}

</mosaic_0001>

<sc_bundles>
// kernel: kernel.6.cloned.1.call-start
scs
__scs_entry_jumppad:
0x0: {  	(pc) =	sbr.rel $0x88, $3  }
0x1: {  	(tag) =	ssettag $0x0;
	lr =	simm.s32 $0x1  }
0x2: {  	[smem:$0x3F9D] =	sst lr;
	_ =	strace $0xD0000000  }
0x3: {  	_ = 	snop  }
0x4: {  	_ = 	snop  }
0x5: {  	_ = 	snop  }
0x6: {  	_ = 	snop  }
0x7: {  	_ = 	snop  }
__scs_overlays_trampoline_lowered:
0x8: {  	[smem:$0x3FAC] =	sst s0  }
0x9: {  	[smem:$0x3FAD] =	sst s1  }
0xa: {  	[smem:$0x3FAE] =	sst s2  }
0xb: {  	[smem:$0x3FAF] =	sst s3  }
0xc: {  	[smem:$0x3FB0] =	sst s4  }
0xd: {  	[smem:$0x3FB1] =	sst s5  }
0xe: {  	[smem:$0x3FB2] =	sst s6  }
0xf: {  	[smem:$0x3FB3] =	sst s7  }
0x10: {  	[smem:$0x3FB4] =	sst s8  }
0x11: {  	[smem:$0x3FB5] =	sst s9;
	s0 =	simm.s32 @!p0 $0x0  }
0x12: {  	s1 =	sld [smem:$0x3F9B];
	s0 =	simm.s32 @p0 $0x1  }
0x13: {  	[smem:$0x3FB6] =	sst s0;
	s0 =	simm.s32 @!p1 $0x0  }
0x14: {  	s2 =	sld [smem:$0x3F9A];
	s0 =	simm.s32 @p1 $0x1  }
0x15: {  	[smem:$0x3FB7] =	sst s0;
	s0 =	simm.s32 @!p2 $0x0  }
0x16: {  	s3 =	sld [smem:$0x3FDB];
	s0 =	simm.s32 @p2 $0x1  }
0x17: {  	s4 =	simm.s32 $0x1BF5;
	[smem:$0x3FB9] =	sst s0  }
0x18: {  	s0 =	sld [smem:$0x3F9C];
	_ =	swait.ge [sflag:s4], $0x0  }
0x19: {  	s7 =	sld [smem:$0x3F9D]  }
0x1a: {  	s8 =	sadd.s32 $0xFFFFE003, lr  }
0x1b: {  	s9 =	sadd.s32 $0xFFFFFEF7, lr;
	s5 =	simm.s32 $0xFFFFFFFF;
	p2 =	slt.u32 s8, $0xFFFFF086  }
0x1c: {  	p1 =	slt.u32 s9, $0xF7A;
	s5 =	simm.s32 @!p2 $0x0  }
0x1d: {  	s5 =	simm.s32 @p1 $0x1;
	p0 =	seq.s32 s7, s2  }
0x1e: {  	s7 =	smul.u32 @!p0 $0xF7A, s2;
	p2 =	seq.s32 @!p0 s5, $0x0  }
0x1f: {  	s9 =	smul.u32 $0xF7A, s1;
	s8 =	simm.s32 @!p0 $0x1BF5;
	p2 =	por !p2, p0  }
0x20: {  	[sflag:s8] =	ssyncset.s32 @!p0 $0xFFFFF086;
	s6 =	sadd.s32 @!p0 s3, s7;
	s7 =	simm.s32 @!p0 $0x108  }
0x21: {  	s3 =	sadd.s32 s3, s9;
	s6 =	sadd.s32 @!p0 $0x88, s6;
	s7 =	simm.s32 @p2 $0x1082  }
0x22: {  	[simem:s7], [sflag:s8] =	dma.local @!p0 [hbm:s6], $0xF7A  }
0x23: {  	s9 =	sor.u32 $0xD0000000, s2;
	s6 =	simm.s32 $0x108;
	_ =	swait.ge @!p0 [sflag:s8], $0x0  }
0x24: {  	s3 =	sadd.s32 $0x88, s3;
	s6 =	simm.s32 @!p1 $0x1082;
	[sflag:s4] =	ssyncset.s32 $0xFFFFF086  }
0x25: {  	[simem:s6], [sflag:s4] =	dma.local [hbm:s3], $0xF7A  }
0x26: {  	[smem:$0x3F9D] =	sst s1;
	(tag) =	ssettag s2;
	_ =	strace s9  }
0x27: {  	s1 =	sld [smem:$0x3FAD]  }
0x28: {  	s2 =	sld [smem:$0x3FAE]  }
0x29: {  	s4 =	sld [smem:$0x3FB0]  }
0x2a: {  	p0 =	seq.s32 s5, $0x0;
	s5 =	sld [smem:$0x3FB1]  }
0x2b: {  	s6 =	sld [smem:$0x3FB2]  }
0x2c: {  	s7 =	sld [smem:$0x3FB3]  }
0x2d: {  	s3 =	simm.s32 $0x108;
	s8 =	sld [smem:$0x3FB4]  }
0x2e: {  	s3 =	simm.s32 @!p0 $0x1082;
	s9 =	sld [smem:$0x3FB5]  }
0x2f: {  	lr =	sadd.s32 s0, s3;
	s0 =	sld [smem:$0x3FAC]  }
0x30: {  	s3 =	sld [smem:$0x3FAF]  }
0x31: {  	[smem:$0x3FB8] =	sst s10  }
0x32: {  	s10 =	sld [smem:$0x3FB6];
	_ =	sdelay $0x3  }
0x33: {  	p0 =	seq.s32 s10, $0x1;
	s10 =	sld [smem:$0x3FB8];
	_ =	sdelay $0x3  }
0x34: {  	[smem:$0x3FB8] =	sst s10  }
0x35: {  	s10 =	sld [smem:$0x3FB7];
	_ =	sdelay $0x3  }
0x36: {  	p1 =	seq.s32 s10, $0x1;
	s10 =	sld [smem:$0x3FB8];
	_ =	sdelay $0x3  }
0x37: {  	[smem:$0x3FB8] =	sst s10  }
0x38: {  	s10 =	sld [smem:$0x3FB9]  }
0x39: {  	_ = 	snop;
	(pc) =	sbr.ind lr, $3  }
0x3a: {  	_ = 	snop  }
0x3b: {  	_ = 	snop  }
0x3c: {  	p2 =	seq.s32 s10, $0x1;
	s10 =	sld [smem:$0x3FB8]  }
0x3d: {  	_ =	shalt  }
0x3e: {  	_ =	shalt  }
0x3f: {  	_ =	shalt  }
0x40: {  	_ =	shalt  }
0x41: {  	_ =	shalt  }
0x42: {  	_ =	shalt  }
0x43: {  	_ =	shalt  }
0x44: {  	_ =	shalt  }
0x45: {  	_ =	shalt  }
0x46: {  	_ =	shalt  }
0x47: {  	_ =	shalt  }
0x48: {  	_ =	shalt  }
0x49: {  	_ =	shalt  }
0x4a: {  	_ =	shalt  }
0x4b: {  	_ =	shalt  }
0x4c: {  	_ =	shalt  }
0x4d: {  	_ =	shalt  }
0x4e: {  	_ =	shalt  }
0x4f: {  	_ =	shalt  }
0x50: {  	_ =	shalt  }
0x51: {  	_ =	shalt  }
0x52: {  	_ =	shalt  }
0x53: {  	_ =	shalt  }
0x54: {  	_ =	shalt  }
0x55: {  	_ =	shalt  }
0x56: {  	_ =	shalt  }
0x57: {  	_ =	shalt  }
0x58: {  	_ =	shalt  }
0x59: {  	_ =	shalt  }
0x5a: {  	_ =	shalt  }
0x5b: {  	_ =	shalt  }
0x5c: {  	_ =	shalt  }
0x5d: {  	_ =	shalt  }
0x5e: {  	_ =	shalt  }
0x5f: {  	_ =	shalt  }
0x60: {  	_ =	shalt  }
0x61: {  	_ =	shalt  }
0x62: {  	_ =	shalt  }
0x63: {  	_ =	shalt  }
0x64: {  	_ =	shalt  }
0x65: {  	_ =	shalt  }
0x66: {  	_ =	shalt  }
0x67: {  	_ =	shalt  }
0x68: {  	_ =	shalt  }
0x69: {  	_ =	shalt  }
0x6a: {  	_ =	shalt  }
0x6b: {  	_ =	shalt  }
0x6c: {  	_ =	shalt  }
0x6d: {  	_ =	shalt  }
0x6e: {  	_ =	shalt  }
0x6f: {  	_ =	shalt  }
0x70: {  	_ =	shalt  }
0x71: {  	_ =	shalt  }
0x72: {  	_ =	shalt  }
0x73: {  	_ =	shalt  }
0x74: {  	_ =	shalt  }
0x75: {  	_ =	shalt  }
0x76: {  	_ =	shalt  }
0x77: {  	_ =	shalt  }
0x78: {  	_ =	shalt  }
0x79: {  	_ =	shalt  }
0x7a: {  	_ =	shalt  }
0x7b: {  	_ =	shalt  }
0x7c: {  	_ =	shalt  }
0x7d: {  	_ =	shalt  }
0x7e: {  	_ =	shalt  }
0x7f: {  	_ =	shalt  }
0x80: {  	_ =	shalt  }
0x81: {  	_ =	shalt  }
0x82: {  	_ =	shalt  }
0x83: {  	_ =	shalt  }
0x84: {  	_ =	shalt  }
0x85: {  	_ =	shalt  }
0x86: {  	_ =	shalt  }
0x87: {  	_ =	shalt  }
.Lfunc_end0:
.L_simem_size_0:
called_computation_lowered:
.L_overlay_start_0:
0x88: {  	s2 =	sld [smem:$0x3FD9]  }
0x89: {  	s3 =	sld [smem:$0x3FFE];
	_ =	sdelay $0x1  }
0x8a: {  	s1 =	srdreg.scid  }
0x8b: {  	s0 =	sand.u32 $0x1, s1  }
0x8c: {  	s17 =	sshll.u32 s0, $0xA;
	s2 =	sadd.s32 s3, s2  }
0x8d: {  	s2 =	sadd.s32 s2, s17  }
0x8e: {  	[smem:$0x3FC4] =	sst s2  }
0x8f: {  	_ = 	snop  }
0x90: {  	s2 =	sld [smem:$0x3FD0];
	(tm) =	ssettm $0x1  }
0x91: {  	s18 =	sld [smem:$0x3FFB];
	_ =	sdelay $0x3  }
0x92: {  	_ =	strace s18  }
0x93: {  	s3 =	sld [smem:$0x3FFC];
	_ =	sdelay $0x3  }
0x94: {  	_ =	strace s3  }
0x95: {  	s3 =	sld [smem:$0x3FFD];
	_ =	sdelay $0x3  }
0x96: {  	_ =	strace s3  }
0x97: {  	_ =	strace $0x8FFFFFFF  }
0x98: {  	s19 =	sld [smem:$0x3FDB];
	_ =	sdelay $0x1  }
0x99: {  	s4 =	simm.s32 $_scs_section_size  }
0x9a: {  	s5 =	simm.s32 $_size__tile_overlayer_lowered;
	s6 =	simm.s32 $_tile_overlayer_lowered  }
0x9b: {  	s22 =	simm.s32 $0x1BFF;
	s21 =	sshll.u32 s6, $0x1;
	s3 =	sadd.s32 s4, s19  }
0x9c: {  	s7 =	simm.s32 $0x0;
	s20 =	sshll.u32 s5, $0x1;
	s5 =	sadd.s32 s21, s3  }
0x9d: {  	[timem:s7], [sflag:s22] =	dma.local [hbm:s5], s20  }
0x9e: {  	_ =	swait.ge [sflag:s22], s20  }
0x9f: {  	s4 =	ssub.s32 $0x0, s20;
	[sflag:s22] =	ssyncset.done $0x0  }
0xa0: {  	[sflag:s22] =	ssyncadd.s32 s4;
	_ =	sdelay $0x1  }
0xa1: {  	s23 =	simm.s32 $0x1B8B  }
0xa2: {  	_ =	swait.ge [sflag:s23], $0x1  }
0xa3: {  	[sflag:s23] =	ssyncset.done $0x0  }
0xa4: {  	s25 =	simm.s32 $0x1B8E;
	s24 =	sld [smem:$0x3FFE];
	[sflag:s23] =	ssyncadd.s32 $0xFFFFFFFF  }
0xa5: {  	s26 =	simm.s32 $execute0_lowered;
	[smem:$0x3FD2] =	sst s25  }
0xa6: {  	s5 =	sshll.u32 s26, $0x1;
	_ =	strace $0x80000046;
	[dreg:$0x1] =	wrdreg $0xFFFFFFFF  }
0xa7: {  	s28 =	simm.s32 $_size_execute0_lowered;
	s3 =	sadd.s32 s3, s5;
	[dreg:$0x0] =	wrdreg $0x0  }
0xa8: {  	s5 =	sshll.u32 s28, $0x1;
	[dreg:$0x2] =	wrdreg s3  }
0xa9: {  	[dreg:$0x3] =	wrdreg s5  }
0xaa: {  	[dreg:$0x4] =	wrdreg $0xC0  }
0xab: {  	_ =	task [dreg:s7], $0x5FFFF  }
0xac: {  	[dreg:$0x1] =	wrdreg $0xFFFFFFFF  }
0xad: {  	[dreg:$0x0] =	wrdreg $0x60  }
0xae: {  	[dreg:$0x2] =	wrdreg s24  }
0xaf: {  	[dreg:$0x3] =	wrdreg s2  }
0xb0: {  	[dreg:$0x4] =	wrdreg $0xCB000  }
0xb1: {  	[dreg:$0x5] =	wrdreg $0x9  }
0xb2: {  	_ =	task.clear_ibuf [dreg:s7], $0x6FFFF;
	_ =	strace $0x90000046  }
0xb3: {  	s29 =	simm.s32 $0x9;
	_ =	strace $0x80000048  }
0xb4: {  	_ =	swait.ge [sflag:s29], $0x1  }
0xb5: {  	[sflag:s29] =	ssyncadd.s32 $0xFFFFFFFF  }
0xb6: {  	_ =	strace $0x90000048  }
0xb7: {  	_ =	sfence  }
0xb8: {  	s30 =	sld [smem:$0x0];
	_ =	sdelay $0x2  }
0xb9: {  	s31 =	sshll.u32 s1, $0xD;
	s1 =	sshrl.u32 s1, $0x2  }
0xba: {  	s3 =	sand.u32 $0x4000, s31;
	s1 =	sadd.s32 s1, s30  }
0xbb: {  	s0 =	sor.u32 s3, s0;
	s1 =	sshll.u32 s1, $0x11  }
0xbc: {  	s0 =	sor.u32 s1, s0  }
0xbd: {  	s0 =	sadd.s32 $0x8F2B, s0  }
0xbe: {  	[sflag:s0] =	ssyncadd.remote.s32 $0x1  }
0xbf: {  	_ =	sfence.sel $0xFFFF  }
0xc0: {  	[dreg:$0x0] =	wrdreg $0xFFFFFFFF;
	(pc) =	sbr.abs _section_cstart, $3  }
0xc1: {  	[dreg:$0x1] =	wrdreg $0xFFFFFFFF  }
0xc2: {  	_ =	task.clear_ibuf [dreg:s7], $0x2FFFF;
	_ =	strace $0x9FFFFFFF  }
0xc3: {  	(tm) =	ssettm $0x7FFFFFFF  }
tec
execute0_lowered:
.L_overlay_start_1:
0x0: {  	(tag) =	ssettag $0x1  }
0x1: {  	s5 =	rddreg [dreg:$0x0]  }
0x2: {  	s8 =	rddreg [dreg:$0x1]  }
0x3: {  	s1 =	rddreg [dreg:$0x2]  }
0x4: {  	s0 =	rddreg [dreg:$0x3];
	s3 =	simm.s32 $0x0;
	s4 =	srdreg.scid  }
0x5: {  	s2 =	stileid.u32;
	s14 =	simm.s32 $0x80;
	s15 =	simm.s32 $0x100  }
0x6: {  	s16 =	simm.s32 $0x180;
	s17 =	simm.s32 $0x200;
	s18 =	simm.s32 $0x280  }
0x7: {  	s19 =	simm.s32 $0x1;
	s20 =	simm.s32 $0x0;
	[smem:$0x7FF] =	sst s3  }
0x8: {  	s7 =	sadd.s32 $0x1C00, s5;
	s6 =	sand.u32 $0x1, s4;
	s9 =	smul.u32 $0xC350, s2  }
0x9: {  	s4 =	sadd.s32 $0x34400, s5;
	s12 =	smul.u32 $0xC300, s2;
	s13 =	sshll.u32 s2, $0x7  }
0xa: {  	s5 =	sadd.s32 $0x32A00, s5;
	s31 =	sshll.u32 s2, $0x6;
	s10 =	ssub.s32 $0x2, s6  }
0xb: {  	p0 =	sgt.u32 s2, $0x9;
	s6 =	smul.u32 $0xC3500, s6;
	s11 =	sshrl.u32 s10, $0x1  }
0xc: {  	_ =	strace $0x80000047;
	s30 =	sadd.s32 s9, s1;
	s10 =	ssub.s32 s10, s11  }
0xd: {  	s29 =	sadd.s32 s13, s6;
	s12 =	sadd.s32 s12, s6;
	s9 =	sadd.s32 s9, s6  }
0xe: {  	s13 =	sshrl.u32 s30, $0x3;
	s11 =	sadd.s32 $0xC3000, s29;
	s12 =	sshrl.u32 s12, $0x3  }
0xf: {  	s9 =	sshrl.u32 s9, $0x3;
	s11 =	sshrl.u32 s11, $0x3;
	s6 =	sadd.s32 s7, s12  }
0x10: {  	s8 =	sadd.s32 s8, s9;
	s9 =	smax.u32 s10, $0x1;
	s10 =	simm.s32 $0xC300  }
0x11: {  	s12 =	sor.u32 $0x1C02, s31;
	s7 =	sadd.s32 s7, s11;
	s11 =	simm.s32 $0x2  }
.LBB2_1:
0x12: {  	[tilespmem:s10], [sflag:$0x2] =	stream.linear.gather [hbm4b:s4+s3], $0x800, $0x38;
	[tilespmem:$0x18E50] =	vst v63  }
0x13: {  	_ =	swait.ge [sflag:s11], $0x800  }
0x14: {  	[sflag:s11] =	ssyncset.done $0x0  }
0x15: {  	[sflag:s11] =	ssyncadd.s32 $0xFFFFF800  }
0x16: {  	[spmem:s13], [sflag:s12] =	dma.local [hbm:s5], $0x186A  }
0x17: {  	_ =	swait.ge [sflag:s11], $0x186A  }
0x18: {  	[sflag:s11] =	ssyncset.done $0x0  }
0x19: {  	[sflag:s11] =	ssyncadd.s32 $0xFFFFE796  }
0x1a: {  	[tilespmem:s3], [sflag:$0x2] =	stream.linear.gather [hbm4b:s6+s3], $0xC300, $0x38;
	[tilespmem:$0x18E50] =	vst v63  }
0x1b: {  	_ =	swait.ge [sflag:s11], $0xC300  }
0x1c: {  	[sflag:s11] =	ssyncset.done $0x0  }
0x1d: {  	[sflag:s11] =	ssyncadd.s32 $0xFFFF3D00  }
0x1e: {  	[bflag:$0x0] =	sbarrier.arrive $0xFFFF  }
0x1f: {  	[spmem:s1] =	stream.indirect.scatter.add.f32 [tilespmem:s10], [sflag:$0x1], $0x10, s3, s14, $0xb8;
	[tilespmem:$0x18E50] =	vst v63  }
0x20: {  	_ = 	snop  }
0x21: {  	[spmem:s1] =	stream.indirect.scatter.add.f32 [tilespmem:s10], [sflag:$0x1], $0x10, s14, s14, $0xb8;
	[tilespmem:$0x18E50] =	vst v63  }
0x22: {  	_ = 	snop  }
0x23: {  	[spmem:s1] =	stream.indirect.scatter.add.f32 [tilespmem:s10], [sflag:$0x1], $0x10, s15, s14, $0xb8;
	[tilespmem:$0x18E50] =	vst v63  }
0x24: {  	_ = 	snop  }
0x25: {  	[spmem:s1] =	stream.indirect.scatter.add.f32 [tilespmem:s10], [sflag:$0x1], $0x10, s16, s14, $0xb8;
	[tilespmem:$0x18E50] =	vst v63  }
0x26: {  	_ = 	snop  }
0x27: {  	[spmem:s1] =	stream.indirect.scatter.add.f32 [tilespmem:s10], [sflag:$0x1], $0x10, s17, s14, $0xb8;
	[tilespmem:$0x18E50] =	vst v63  }
0x28: {  	_ = 	snop  }
0x29: {  	[spmem:s1] =	stream.indirect.scatter.add.f32 [tilespmem:s10], [sflag:$0x1], $0x10, s18, s14, $0xb8;
	[tilespmem:$0x18E50] =	vst v63  }
0x2a: {  	s21 =	simm.s32 $0x300  }
0x2b: {  	[spmem:s1] =	stream.indirect.scatter.add.f32 [tilespmem:s10], [sflag:$0x1], $0x10, s21, s14, $0xb8;
	[tilespmem:$0x18E50] =	vst v63  }
0x2c: {  	_ =	swait.ge [sflag:s19], $0x800  }
0x2d: {  	s21 =	simm.s32 $0xE00;
	[sflag:s19] =	ssyncset.done $0x0  }
.LBB2_2:
0x2e: {  	s22 =	sshra.s32 s21, $0x2;
	[sflag:s19] =	ssyncadd.s32 $0xFFFFF800;
	p1 =	sne.s32 s21, $0x30A00  }
0x2f: {  	[spmem:s1] =	stream.indirect.scatter.add.f32 [tilespmem:s10], [sflag:$0x1], $0x10, s22, s14, $0xb8;
	[tilespmem:$0x18E50] =	vst v63  }
.Ltmp0:
0x30: {  	_ = 	snop;
	(pc) =	sbr.rel @p1 .LBB2_2-.Ltmp0, $4  }
0x31: {  	_ = 	snop  }
0x32: {  	s21 =	sadd.s32 $0x200, s21  }
0x33: {  	_ =	swait.ge [sflag:s19], $0x800  }
0x34: {  	[sflag:s19] =	ssyncset.done $0x0  }
0x35: {  	[sflag:s19] =	ssyncadd.s32 $0xFFFFF800  }
0x36: {  	_ =	swait.ge [sflag:s19], $0x800  }
0x37: {  	[sflag:s19] =	ssyncset.done $0x0  }
0x38: {  	[sflag:s19] =	ssyncadd.s32 $0xFFFFF800  }
0x39: {  	_ =	swait.ge [sflag:s19], $0x800  }
0x3a: {  	[sflag:s19] =	ssyncset.done $0x0  }
0x3b: {  	[sflag:s19] =	ssyncadd.s32 $0xFFFFF800  }
0x3c: {  	_ =	swait.ge [sflag:s19], $0x800  }
0x3d: {  	[sflag:s19] =	ssyncset.done $0x0  }
0x3e: {  	[sflag:s19] =	ssyncadd.s32 $0xFFFFF800  }
0x3f: {  	_ =	swait.ge [sflag:s19], $0x800  }
0x40: {  	[sflag:s19] =	ssyncset.done $0x0  }
0x41: {  	[sflag:s19] =	ssyncadd.s32 $0xFFFFF800  }
0x42: {  	_ =	swait.ge [sflag:s19], $0x800  }
0x43: {  	[sflag:s19] =	ssyncset.done $0x0  }
0x44: {  	[sflag:s19] =	ssyncadd.s32 $0xFFFFF800  }
0x45: {  	_ =	swait.ge [sflag:s19], $0x800  }
0x46: {  	[sflag:s19] =	ssyncset.done $0x0  }
0x47: {  	s21 =	simm.s32 @!p0 $0x0;
	s22 =	simm.s32 @!p0 $0x2;
	[sflag:s19] =	ssyncadd.s32 $0xFFFFF800  }
0x48: {  	[tilespmem:s21], [sflag:$0x2] =	stream.linear.gather @!p0 [hbm4b:s7+s21], $0x80, $0x38;
	[tilespmem:$0x18E50] =	vst v63  }
0x49: {  	_ =	swait.ge @!p0 [sflag:s22], $0x80  }
0x4a: {  	[sflag:s22] =	ssyncset.done @!p0 $0x0  }
0x4b: {  	s23 =	simm.s32 @!p0 $0x80;
	s24 =	simm.s32 @!p0 $0xC300;
	[sflag:s22] =	ssyncadd.s32 @!p0 $0xFFFFFF80  }
0x4c: {  	[spmem:s1] =	stream.indirect.scatter.add.f32 @!p0 [tilespmem:s24], [sflag:$0x2], $0x10, s21, s23, $0xb8;
	[tilespmem:$0x18E50] =	vst v63  }
0x4d: {  	_ =	swait.ge @!p0 [sflag:s22], $0x800  }
0x4e: {  	s20 =	sadd.s32 $0x1, s20;
	[sflag:s22] =	ssyncset.done @!p0 $0x0  }
0x4f: {  	p1 =	sne.s32 s20, s9;
	[sflag:s22] =	ssyncadd.s32 @!p0 $0xFFFFF800  }
.Ltmp1:
0x50: {  	[bflag:$0x0] =	sbarrier.arrive $0xFFFF;
	(pc) =	sbr.rel @p1 .LBB2_1-.Ltmp1, $4  }
0x51: {  	[hbm:s8], [sflag:s12] =	dma.local [spmem:s13], $0x186A  }
0x52: {  	_ =	swait.ge [sflag:s11], $0x186A  }
0x53: {  	[sflag:s11] =	ssyncset.done $0x0  }
0x54: {  	[sflag:s11] =	ssyncadd.s32 $0xFFFFE796  }
0x55: {  	_ =	sfence.sel $0x180000  }
0x56: {  	[bflag:$0x0] =	sbarrier.arrive $0xFFFF  }
0x57: {  	p0 =	sne.s32 s2, $0x0;
	_ =	strace $0x90000047  }
0x58: {  	s0 =	sadd.s32 @!p0 $0x100000, s0;
	[bflag:$0x2] =	sbarrier.arrive $0xFFFF  }
0x59: {  	[sflag:s0] =	ssyncadd.tile.s32 @!p0 $0x1;
	_ =	shalt  }
.Lfunc_end2:
_tile_overlayer_lowered:
.L_overlay_start_2:
0x5a: {  	(tag) =	ssettag $0x2  }
0x5b: {  	s0 =	rddreg [dreg:$0x0];
	s2 =	stileid.u32  }
0x5c: {  	s1 =	rddreg [dreg:$0x1];
	p0 =	sne.s32 s2, $0x0  }
0x5d: {  	s3 =	rddreg [dreg:$0x2];
	[bflag:$0x3] =	sbarrier.arrive $0xFFFF;
	s2 =	simm.s32 @!p0 $0x1C02  }
0x5e: {  	[timem:s3], [sflag:s2] =	dma.local @!p0 [hbm:s0], s1  }
0x5f: {  	s0 =	simm.s32 @!p0 $0x2  }
0x60: {  	_ =	swait.ge @!p0 [sflag:s0], s1  }
0x61: {  	s1 =	ssub.s32 @!p0 $0x0, s1;
	[sflag:s0] =	ssyncset.done @!p0 $0x0  }
0x62: {  	[sflag:s0] =	ssyncadd.s32 @!p0 s1  }
0x63: {  	[bflag:$0x3] =	sbarrier.arrive $0xFFFF  }
0x64: {  	_ =	shalt  }

// kernel: kernel.9.cloned.1.call-start
scs
__scs_entry_jumppad:
0x0: {  	(pc) =	sbr.rel $0x88, $3  }
0x1: {  	(tag) =	ssettag $0x0;
	lr =	simm.s32 $0x1  }
0x2: {  	[smem:$0x3F9D] =	sst lr;
	_ =	strace $0xD0000000  }
0x3: {  	_ = 	snop  }
0x4: {  	_ = 	snop  }
0x5: {  	_ = 	snop  }
0x6: {  	_ = 	snop  }
0x7: {  	_ = 	snop  }
__scs_overlays_trampoline_lowered:
0x8: {  	[smem:$0x3FAC] =	sst s0  }
0x9: {  	[smem:$0x3FAD] =	sst s1  }
0xa: {  	[smem:$0x3FAE] =	sst s2  }
0xb: {  	[smem:$0x3FAF] =	sst s3  }
0xc: {  	[smem:$0x3FB0] =	sst s4  }
0xd: {  	[smem:$0x3FB1] =	sst s5  }
0xe: {  	[smem:$0x3FB2] =	sst s6  }
0xf: {  	[smem:$0x3FB3] =	sst s7  }
0x10: {  	[smem:$0x3FB4] =	sst s8  }
0x11: {  	[smem:$0x3FB5] =	sst s9;
	s0 =	simm.s32 @!p0 $0x0  }
0x12: {  	s1 =	sld [smem:$0x3F9B];
	s0 =	simm.s32 @p0 $0x1  }
0x13: {  	[smem:$0x3FB6] =	sst s0;
	s0 =	simm.s32 @!p1 $0x0  }
0x14: {  	s2 =	sld [smem:$0x3F9A];
	s0 =	simm.s32 @p1 $0x1  }
0x15: {  	[smem:$0x3FB7] =	sst s0;
	s0 =	simm.s32 @!p2 $0x0  }
0x16: {  	s3 =	sld [smem:$0x3FDB];
	s0 =	simm.s32 @p2 $0x1  }
0x17: {  	s4 =	simm.s32 $0x1BF5;
	[smem:$0x3FB9] =	sst s0  }
0x18: {  	s0 =	sld [smem:$0x3F9C];
	_ =	swait.ge [sflag:s4], $0x0  }
0x19: {  	s7 =	sld [smem:$0x3F9D]  }
0x1a: {  	s8 =	sadd.s32 $0xFFFFE003, lr  }
0x1b: {  	s9 =	sadd.s32 $0xFFFFFEF7, lr;
	s5 =	simm.s32 $0xFFFFFFFF;
	p2 =	slt.u32 s8, $0xFFFFF086  }
0x1c: {  	p1 =	slt.u32 s9, $0xF7A;
	s5 =	simm.s32 @!p2 $0x0  }
0x1d: {  	s5 =	simm.s32 @p1 $0x1;
	p0 =	seq.s32 s7, s2  }
0x1e: {  	s7 =	smul.u32 @!p0 $0xF7A, s2;
	p2 =	seq.s32 @!p0 s5, $0x0  }
0x1f: {  	s9 =	smul.u32 $0xF7A, s1;
	s8 =	simm.s32 @!p0 $0x1BF5;
	p2 =	por !p2, p0  }
0x20: {  	[sflag:s8] =	ssyncset.s32 @!p0 $0xFFFFF086;
	s6 =	sadd.s32 @!p0 s3, s7;
	s7 =	simm.s32 @!p0 $0x108  }
0x21: {  	s3 =	sadd.s32 s3, s9;
	s6 =	sadd.s32 @!p0 $0x88, s6;
	s7 =	simm.s32 @p2 $0x1082  }
0x22: {  	[simem:s7], [sflag:s8] =	dma.local @!p0 [hbm:s6], $0xF7A  }
0x23: {  	s9 =	sor.u32 $0xD0000000, s2;
	s6 =	simm.s32 $0x108;
	_ =	swait.ge @!p0 [sflag:s8], $0x0  }
0x24: {  	s3 =	sadd.s32 $0x88, s3;
	s6 =	simm.s32 @!p1 $0x1082;
	[sflag:s4] =	ssyncset.s32 $0xFFFFF086  }
0x25: {  	[simem:s6], [sflag:s4] =	dma.local [hbm:s3], $0xF7A  }
0x26: {  	[smem:$0x3F9D] =	sst s1;
	(tag) =	ssettag s2;
	_ =	strace s9  }
0x27: {  	s1 =	sld [smem:$0x3FAD]  }
0x28: {  	s2 =	sld [smem:$0x3FAE]  }
0x29: {  	s4 =	sld [smem:$0x3FB0]  }
0x2a: {  	p0 =	seq.s32 s5, $0x0;
	s5 =	sld [smem:$0x3FB1]  }
0x2b: {  	s6 =	sld [smem:$0x3FB2]  }
0x2c: {  	s7 =	sld [smem:$0x3FB3]  }
0x2d: {  	s3 =	simm.s32 $0x108;
	s8 =	sld [smem:$0x3FB4]  }
0x2e: {  	s3 =	simm.s32 @!p0 $0x1082;
	s9 =	sld [smem:$0x3FB5]  }
0x2f: {  	lr =	sadd.s32 s0, s3;
	s0 =	sld [smem:$0x3FAC]  }
0x30: {  	s3 =	sld [smem:$0x3FAF]  }
0x31: {  	[smem:$0x3FB8] =	sst s10  }
0x32: {  	s10 =	sld [smem:$0x3FB6];
	_ =	sdelay $0x3  }
0x33: {  	p0 =	seq.s32 s10, $0x1;
	s10 =	sld [smem:$0x3FB8];
	_ =	sdelay $0x3  }
0x34: {  	[smem:$0x3FB8] =	sst s10  }
0x35: {  	s10 =	sld [smem:$0x3FB7];
	_ =	sdelay $0x3  }
0x36: {  	p1 =	seq.s32 s10, $0x1;
	s10 =	sld [smem:$0x3FB8];
	_ =	sdelay $0x3  }
0x37: {  	[smem:$0x3FB8] =	sst s10  }
0x38: {  	s10 =	sld [smem:$0x3FB9]  }
0x39: {  	_ = 	snop;
	(pc) =	sbr.ind lr, $3  }
0x3a: {  	_ = 	snop  }
0x3b: {  	_ = 	snop  }
0x3c: {  	p2 =	seq.s32 s10, $0x1;
	s10 =	sld [smem:$0x3FB8]  }
0x3d: {  	_ =	shalt  }
0x3e: {  	_ =	shalt  }
0x3f: {  	_ =	shalt  }
0x40: {  	_ =	shalt  }
0x41: {  	_ =	shalt  }
0x42: {  	_ =	shalt  }
0x43: {  	_ =	shalt  }
0x44: {  	_ =	shalt  }
0x45: {  	_ =	shalt  }
0x46: {  	_ =	shalt  }
0x47: {  	_ =	shalt  }
0x48: {  	_ =	shalt  }
0x49: {  	_ =	shalt  }
0x4a: {  	_ =	shalt  }
0x4b: {  	_ =	shalt  }
0x4c: {  	_ =	shalt  }
0x4d: {  	_ =	shalt  }
0x4e: {  	_ =	shalt  }
0x4f: {  	_ =	shalt  }
0x50: {  	_ =	shalt  }
0x51: {  	_ =	shalt  }
0x52: {  	_ =	shalt  }
0x53: {  	_ =	shalt  }
0x54: {  	_ =	shalt  }
0x55: {  	_ =	shalt  }
0x56: {  	_ =	shalt  }
0x57: {  	_ =	shalt  }
0x58: {  	_ =	shalt  }
0x59: {  	_ =	shalt  }
0x5a: {  	_ =	shalt  }
0x5b: {  	_ =	shalt  }
0x5c: {  	_ =	shalt  }
0x5d: {  	_ =	shalt  }
0x5e: {  	_ =	shalt  }
0x5f: {  	_ =	shalt  }
0x60: {  	_ =	shalt  }
0x61: {  	_ =	shalt  }
0x62: {  	_ =	shalt  }
0x63: {  	_ =	shalt  }
0x64: {  	_ =	shalt  }
0x65: {  	_ =	shalt  }
0x66: {  	_ =	shalt  }
0x67: {  	_ =	shalt  }
0x68: {  	_ =	shalt  }
0x69: {  	_ =	shalt  }
0x6a: {  	_ =	shalt  }
0x6b: {  	_ =	shalt  }
0x6c: {  	_ =	shalt  }
0x6d: {  	_ =	shalt  }
0x6e: {  	_ =	shalt  }
0x6f: {  	_ =	shalt  }
0x70: {  	_ =	shalt  }
0x71: {  	_ =	shalt  }
0x72: {  	_ =	shalt  }
0x73: {  	_ =	shalt  }
0x74: {  	_ =	shalt  }
0x75: {  	_ =	shalt  }
0x76: {  	_ =	shalt  }
0x77: {  	_ =	shalt  }
0x78: {  	_ =	shalt  }
0x79: {  	_ =	shalt  }
0x7a: {  	_ =	shalt  }
0x7b: {  	_ =	shalt  }
0x7c: {  	_ =	shalt  }
0x7d: {  	_ =	shalt  }
0x7e: {  	_ =	shalt  }
0x7f: {  	_ =	shalt  }
0x80: {  	_ =	shalt  }
0x81: {  	_ =	shalt  }
0x82: {  	_ =	shalt  }
0x83: {  	_ =	shalt  }
0x84: {  	_ =	shalt  }
0x85: {  	_ =	shalt  }
0x86: {  	_ =	shalt  }
0x87: {  	_ =	shalt  }
.Lfunc_end0:
.L_simem_size_0:
called_computation.1_lowered:
.L_overlay_start_0:
0x88: {  	s2 =	sld [smem:$0x3FD9]  }
0x89: {  	s3 =	sld [smem:$0x3FFE];
	_ =	sdelay $0x1  }
0x8a: {  	s1 =	srdreg.scid  }
0x8b: {  	s0 =	sand.u32 $0x1, s1  }
0x8c: {  	s17 =	sshll.u32 s0, $0xA;
	s2 =	sadd.s32 s3, s2  }
0x8d: {  	s2 =	sadd.s32 s2, s17  }
0x8e: {  	[smem:$0x3FC4] =	sst s2  }
0x8f: {  	_ = 	snop  }
0x90: {  	s2 =	sld [smem:$0x3FD0];
	(tm) =	ssettm $0x1  }
0x91: {  	s18 =	sld [smem:$0x3FFB];
	_ =	sdelay $0x3  }
0x92: {  	_ =	strace s18  }
0x93: {  	s3 =	sld [smem:$0x3FFC];
	_ =	sdelay $0x3  }
0x94: {  	_ =	strace s3  }
0x95: {  	s3 =	sld [smem:$0x3FFD];
	_ =	sdelay $0x3  }
0x96: {  	_ =	strace s3  }
0x97: {  	_ =	strace $0x8FFFFFFF  }
0x98: {  	s19 =	sld [smem:$0x3FDB];
	_ =	sdelay $0x1  }
0x99: {  	s4 =	simm.s32 $_scs_section_size  }
0x9a: {  	s5 =	simm.s32 $_size__tile_overlayer_lowered;
	s6 =	simm.s32 $_tile_overlayer_lowered  }
0x9b: {  	s22 =	simm.s32 $0x1BFF;
	s21 =	sshll.u32 s6, $0x1;
	s3 =	sadd.s32 s4, s19  }
0x9c: {  	s7 =	simm.s32 $0x0;
	s20 =	sshll.u32 s5, $0x1;
	s5 =	sadd.s32 s21, s3  }
0x9d: {  	[timem:s7], [sflag:s22] =	dma.local [hbm:s5], s20  }
0x9e: {  	_ =	swait.ge [sflag:s22], s20  }
0x9f: {  	s4 =	ssub.s32 $0x0, s20;
	[sflag:s22] =	ssyncset.done $0x0  }
0xa0: {  	[sflag:s22] =	ssyncadd.s32 s4;
	_ =	sdelay $0x1  }
0xa1: {  	s23 =	simm.s32 $0x1B8B  }
0xa2: {  	_ =	swait.ge [sflag:s23], $0x1  }
0xa3: {  	[sflag:s23] =	ssyncset.done $0x0  }
0xa4: {  	s25 =	simm.s32 $0x1B8E;
	s24 =	sld [smem:$0x3FFE];
	[sflag:s23] =	ssyncadd.s32 $0xFFFFFFFF  }
0xa5: {  	s26 =	simm.s32 $execute0_lowered;
	[smem:$0x3FD2] =	sst s25  }
0xa6: {  	s5 =	sshll.u32 s26, $0x1;
	_ =	strace $0x80000049;
	[dreg:$0x1] =	wrdreg $0xFFFFFFFF  }
0xa7: {  	s28 =	simm.s32 $_size_execute0_lowered;
	s3 =	sadd.s32 s3, s5;
	[dreg:$0x0] =	wrdreg $0x0  }
0xa8: {  	s5 =	sshll.u32 s28, $0x1;
	[dreg:$0x2] =	wrdreg s3  }
0xa9: {  	[dreg:$0x3] =	wrdreg s5  }
0xaa: {  	[dreg:$0x4] =	wrdreg $0xC0  }
0xab: {  	_ =	task [dreg:s7], $0x5FFFF  }
0xac: {  	[dreg:$0x1] =	wrdreg $0xFFFFFFFF  }
0xad: {  	[dreg:$0x0] =	wrdreg $0x60  }
0xae: {  	[dreg:$0x2] =	wrdreg s2  }
0xaf: {  	[dreg:$0x3] =	wrdreg s24  }
0xb0: {  	[dreg:$0x4] =	wrdreg $0x60200  }
0xb1: {  	[dreg:$0x5] =	wrdreg $0x9  }
0xb2: {  	_ =	task.clear_ibuf [dreg:s7], $0x6FFFF;
	_ =	strace $0x90000049  }
0xb3: {  	s29 =	simm.s32 $0x9;
	_ =	strace $0x8000004B  }
0xb4: {  	_ =	swait.ge [sflag:s29], $0x1  }
0xb5: {  	[sflag:s29] =	ssyncadd.s32 $0xFFFFFFFF  }
0xb6: {  	_ =	strace $0x9000004B  }
0xb7: {  	_ =	sfence  }
0xb8: {  	s30 =	sld [smem:$0x0];
	_ =	sdelay $0x2  }
0xb9: {  	s31 =	sshll.u32 s1, $0xD;
	s1 =	sshrl.u32 s1, $0x2  }
0xba: {  	s3 =	sand.u32 $0x4000, s31;
	s1 =	sadd.s32 s1, s30  }
0xbb: {  	s0 =	sor.u32 s3, s0;
	s1 =	sshll.u32 s1, $0x11  }
0xbc: {  	s0 =	sor.u32 s1, s0  }
0xbd: {  	s0 =	sadd.s32 $0x8F2B, s0  }
0xbe: {  	[sflag:s0] =	ssyncadd.remote.s32 $0x1  }
0xbf: {  	_ =	sfence.sel $0xFFFF  }
0xc0: {  	[dreg:$0x0] =	wrdreg $0xFFFFFFFF;
	(pc) =	sbr.abs _section_cstart, $3  }
0xc1: {  	[dreg:$0x1] =	wrdreg $0xFFFFFFFF  }
0xc2: {  	_ =	task.clear_ibuf [dreg:s7], $0x2FFFF;
	_ =	strace $0x9FFFFFFF  }
0xc3: {  	(tm) =	ssettm $0x7FFFFFFF  }
tec
execute0_lowered:
.L_overlay_start_1:
0x0: {  	(tag) =	ssettag $0x1  }
0x1: {  	s1 =	rddreg [dreg:$0x0]  }
0x2: {  	s0 =	rddreg [dreg:$0x1]  }
0x3: {  	s2 =	srdreg.scid;
	s4 =	stileid.u32  }
0x4: {  	s3 =	rddreg [dreg:$0x2];
	s5 =	simm.s32 $0x0;
	s16 =	simm.s32 $0x5  }
0x5: {  	s17 =	simm.s32 $0x800;
	s18 =	simm.s32 $0x1810;
	s19 =	simm.s32 $0x1000  }
0x6: {  	s20 =	simm.s32 $0x80;
	s21 =	simm.s32 $0x2020;
	s23 =	simm.s32 $0x4  }
0x7: {  	s24 =	simm.s32 $0x0;
	s2 =	sand.u32 $0x1, s2;
	s8 =	smul.u32 $0x19000, s4  }
0x8: {  	[smem:$0x7FF] =	sst s5;
	s5 =	sadd.s32 $0x1C00, s0;
	s29 =	sshll.u32 s4, $0x6  }
0x9: {  	s13 =	sshll.u32 s4, $0x4;
	p0 =	sgt.u32 s4, $0x9;
	s6 =	smul.u32 $0x190000, s2  }
0xa: {  	_ =	strace $0x8000004A;
	s9 =	ssub.s32 $0x2, s2;
	s2 =	smul.u32 $0x61A8, s2  }
0xb: {  	s13 =	sadd.s32 s13, s5;
	s10 =	sshrl.u32 s9, $0x1;
	s7 =	sadd.s32 s8, s6  }
0xc: {  	s12 =	sadd.s32 s8, s3;
	s14 =	sadd.s32 $0x18600, s13;
	s7 =	sshrl.u32 s7, $0x3  }
0xd: {  	s6 =	sadd.s32 $0x32A00, s0;
	s0 =	sadd.s32 s7, s0;
	s7 =	smul.u32 $0xC300, s4  }
.Ltmp0:
0xe: {  	s13 =	sadd.s32 $0x30CA0, s13;
	s11 =	ssub.s32 s9, s10;
	(pc) =	sbr.rel .LBB2_1-.Ltmp0, $4  }
0xf: {  	s8 =	sor.u32 $0x1C05, s29;
	s22 =	sadd.s32 $0x61A8, s2;
	[dreg:$0x4] =	wrdreg s14  }
0x10: {  	[dreg:$0x5] =	wrdreg s13;
	s15 =	sshrl.u32 s12, $0x3;
	s30 =	sshrl.u32 s7, $0x3  }
0x11: {  	v1 =	vlaneseq.u32;
	s14 =	smax.u32 s11, $0x1;
	v2 =	vmov s22;
	s22 =	simm.s32 $0x3;
	s31 =	sadd.s32 s5, s30  }
0x12: {  	v3 =	vimm.s32 $0x0;
	v4 =	vor.u32 $0x800, v1;
	v0 =	vmov s2;
	s13 =	sadd.s32 $0x35C00, s0;
	s9 =	sadd.s32 $0x1800, s31;
	s10 =	sadd.s32 $0x19EA0, s31  }
.LBB2_25:
0x13: {  	s24 =	sadd.s32 $0x1, s24  }
0x14: {  	p1 =	sne.s32 s24, s14  }
.Ltmp1:
0x15: {  	[bflag:$0x0] =	sbarrier.arrive $0xFFFF;
	(pc) =	sbr.rel @!p1 .LBB2_26-.Ltmp1, $4  }
0x16: {  	[hbm:s13], [sflag:s8] =	dma.local [spmem:s15], $0x3200  }
0x17: {  	_ =	swait.ge [sflag:s16], $0x3200  }
0x18: {  	[sflag:s16] =	ssyncset.done $0x0  }
0x19: {  	[sflag:s16] =	ssyncadd.s32 $0xFFFFCE00  }
.LBB2_1:
0x1a: {  	[spmem:s15], [sflag:s8] =	dma.local [hbm:s6], $0x3200  }
.Ltmp2:
0x1b: {  	_ =	swait.ge [sflag:s16], $0x3200;
	(pc) =	sbr.rel .LBB2_2-.Ltmp2, $4  }
0x1c: {  	[sflag:s16] =	ssyncset.done $0x0  }
0x1d: {  	[sflag:s16] =	ssyncadd.s32 $0xFFFFCE00  }
0x1e: {  	[bflag:$0x0] =	sbarrier.arrive $0xFFFF  }
0x1f: {  	s25 =	simm.s32 $0x0  }
.LBB2_11:
0x20: {  	[spmem:s3] =	stream.indirect.scatter.add.f32 @!p1 [tilespmem:s11], [sflag:$0x4], $0x40, s12, s0, $0xb8;
	[tilespmem:$0x1F020] =	vst v63  }
.LBB2_12:
0x21: {  	p1 =	slt.s32 s28, $0x1  }
0x22: {  	s0 =	simm.s32 @!p1 $0x3  }
0x23: {  	s2 =	sand.u32 @!p1 $0x80, s26;
	_ =	swait.ge @!p1 [sflag:s0], $0x2000  }
0x24: {  	s25 =	sadd.s32 $0x1, s25;
	p2 =	sne.s32 @!p1 s2, $0x0;
	[sflag:s0] =	ssyncset.done @!p1 $0x0  }
0x25: {  	p2 =	por p2, p1;
	[sflag:s0] =	ssyncadd.s32 @!p1 $0xFFFFE000;
	p1 =	sne.s32 s25, $0x18  }
.Ltmp3:
0x26: {  	_ = 	snop;
	(pc) =	sbr.rel @!p1 .LBB2_13-.Ltmp3, $4  }
0x27: {  	s0 =	simm.s32 @!p2 $0x4  }
0x28: {  	_ =	swait.ge @!p2 [sflag:s0], $0x2000  }
0x29: {  	[sflag:s0] =	ssyncset.done @!p2 $0x0  }
0x2a: {  	[sflag:s0] =	ssyncadd.s32 @!p2 $0xFFFFE000  }
.LBB2_2:
0x2b: {  	s0 =	sshll.u32 s25, $0xB  }
0x2c: {  	s0 =	sadd.s32 s7, s0  }
0x2d: {  	s0 =	sshrl.u32 s0, $0x3  }
0x2e: {  	s26 =	simm.s32 $0x0;
	s0 =	sadd.s32 s5, s0  }
0x2f: {  	[tilespmem:s26], [sflag:$0x5] =	stream.linear.gather [hbm4b:s0+s26], $0x800, $0x38;
	[tilespmem:$0x1F020] =	vst v63  }
0x30: {  	_ =	swait.ge [sflag:s16], $0x800  }
0x31: {  	[sflag:s16] =	ssyncset.done $0x0  }
0x32: {  	s0 =	sadd.s32 $0x186A0, s0;
	[sflag:s16] =	ssyncadd.s32 $0xFFFFF800  }
0x33: {  	[tilespmem:s17], [sflag:$0x5] =	stream.linear.gather [hbm4b:s0+s26], $0x800, $0x38;
	[tilespmem:$0x1F020] =	vst v63  }
0x34: {  	_ =	swait.ge [sflag:s16], $0x800  }
0x35: {  	[sflag:s16] =	ssyncset.done $0x0  }
0x36: {  	s31 =	simm.s32 $0x0;
	[sflag:s16] =	ssyncadd.s32 $0xFFFFF800  }
0x37: {  	v5 =	vld [tilespmem:s31+$0x800];
	_ =	sdelay $0x4  }
0x38: {  	vm0 =	vge.s32 v5, v0;
	vm1 =	vlt.s32 v5, v2  }
0x39: {  	vm0 =	vmand vm0, vm1  }
0x3a: {  	v6 =	vsel vm0, $0x1, v3;
	v7 =	vmpcnt.ones.xlane vm0  }
0x3b: {  	(xrf0) =	vadd.scan.msk.s32 $0xffff, v6  }
0x3c: {  	(v2sf) =	vpush v7, $0x0;
	_ =	sdelay $0x3  }
0x3d: {  	v6 =	vsel vm0, $0xFFFFFFFF, v3  }
0x3e: {  	v6 =	vadd.s32 s26, v6;
	v8, _, _ =	vpop (xrf0)  }
0x3f: {  	v6 =	vadd.s32 v8, v6  }
0x40: {  	v6 =	vsel vm0, v6, v4  }
0x41: {  	v7 =	vld [tilespmem:s31+$0x0];
	_ =	sdelay $0x1  }
0x42: {  	s2 =	simm.s32 $0x40;
	s0 =	simm.s32 $0x80  }
.LBB2_3:
0x43: {  	p1 =	sne.s32 s0, $0x1FC0;
	v5 =	vsub.s32 v5, v0  }
0x44: {  	[tilespmem:v6+s18+$0x0] =	vst.idx.msk $0xffff, v5  }
0x45: {  	s11 =	sshra.s32 s2, $0x2;
	s2 =	smov.u32 s0;
	[tilespmem:v6+s19+$0x0] =	vst.idx.msk $0xffff, v7  }
0x46: {  	v5 =	vld [tilespmem:s11+$0x800]  }
0x47: {  	s12 =	spop (v2sf)  }
0x48: {  	s26 =	sadd.s32 s26, s12;
	_ =	sdelay $0x2  }
0x49: {  	vm0 =	vge.s32 v5, v0;
	vm1 =	vlt.s32 v5, v2  }
0x4a: {  	vm0 =	vmand vm0, vm1  }
0x4b: {  	v6 =	vsel vm0, $0x1, v3;
	v7 =	vmpcnt.ones.xlane vm0  }
0x4c: {  	(xrf0) =	vadd.scan.msk.s32 $0xffff, v6  }
0x4d: {  	(v2sf) =	vpush v7, $0x0;
	_ =	sdelay $0x3  }
0x4e: {  	v6 =	vsel vm0, $0xFFFFFFFF, v3  }
0x4f: {  	v6 =	vadd.s32 s26, v6;
	v7, _, _ =	vpop (xrf0)  }
.Ltmp4:
0x50: {  	v6 =	vadd.s32 v7, v6;
	(pc) =	sbr.rel @p1 .LBB2_3-.Ltmp4, $3  }
0x51: {  	v6 =	vsel vm0, v6, v4  }
0x52: {  	v7 =	vld [tilespmem:s11+$0x0];
	_ =	sdelay $0x1  }
0x53: {  	s0 =	sadd.s32 $0x40, s0  }
0x54: {  	_ =	sdelay $0x2  }
0x55: {  	v5 =	vsub.s32 v5, v0  }
0x56: {  	[tilespmem:v6+s18+$0x0] =	vst.idx.msk $0xffff, v5  }
0x57: {  	s0 =	sshra.s32 s2, $0x2;
	[tilespmem:v6+s19+$0x0] =	vst.idx.msk $0xffff, v7  }
0x58: {  	v5 =	vld [tilespmem:s0+$0x800];
	_ =	sdelay $0x4  }
0x59: {  	vm0 =	vge.s32 v5, v0;
	vm1 =	vlt.s32 v5, v2  }
0x5a: {  	vm0 =	vmand vm0, vm1  }
0x5b: {  	v6 =	vmpcnt.ones.xlane vm0;
	_ =	sdelay $0x1  }
0x5c: {  	(v2sf) =	vpush v6, $0x0;
	_ =	sdelay $0x9  }
0x5d: {  	v6 =	vsel vm0, $0x1, v3  }
0x5e: {  	(xrf0) =	vadd.scan.msk.s32 $0xffff, v6;
	_ =	sdelay $0x2  }
0x5f: {  	s30 =	spop (v2sf)  }
0x60: {  	s2 =	sadd.s32 s26, s30;
	s11 =	spop (v2sf)  }
0x61: {  	v6 =	vsel vm0, $0xFFFFFFFF, v3;
	s11 =	sadd.s32 s2, s11  }
0x62: {  	v6 =	vadd.s32 s2, v6;
	v7, _, _ =	vpop (xrf0);
	s26 =	sadd.s32 $0x7F, s11  }
0x63: {  	v6 =	vadd.s32 v7, v6;
	s31 =	sshra.s32 s26, $0x4  }
0x64: {  	v7 =	vld [tilespmem:s0+$0x0];
	v6 =	vsel vm0, v6, v4;
	s28 =	sshra.s32 s11, $0x4;
	s0 =	sand.u32 $0xFFFFFFF8, s31  }
0x65: {  	p1 =	sle.s32 s0, s28  }
.Ltmp5:
0x66: {  	_ = 	snop;
	(pc) =	sbr.rel @p1 .LBB2_8-.Ltmp5, $4  }
0x67: {  	_ = 	snop  }
0x68: {  	v5 =	vsub.s32 v5, v0  }
0x69: {  	[tilespmem:v6+s18+$0x0] =	vst.idx.msk $0xffff, v5  }
0x6a: {  	[tilespmem:v6+s19+$0x0] =	vst.idx.msk $0xffff, v7  }
0x6b: {  	s29 =	ssub.s32 s0, s28  }
0x6c: {  	p1 =	sne.s32 s29, $0x1  }
.Ltmp6:
0x6d: {  	s2 =	sshll.u32 s28, $0x6;
	(pc) =	sbr.rel @!p1 .LBB2_7-.Ltmp6, $4  }
0x6e: {  	s12 =	sshra.s32 s2, $0x2  }
0x6f: {  	s2 =	sadd.s32 $0x1810, s12  }
0x70: {  	s0 =	sadd.s32 $0x1000, s12;
	v6 =	vld [tilespmem:s2+$0x0]  }
0x71: {  	v5 =	vmov s11;
	s11 =	sshll.u32 s28, $0x4;
	s28 =	sadd.s32 $0xFFFFFFFF, s29;
	v7 =	vld [tilespmem:s0+$0x0]  }
.LBB2_6:
0x72: {  	p1 =	sne.s32 s28, $0x1;
	v8 =	vor.u32 s11, v1  }
0x73: {  	v9 =	vand.u32 $0x1FF, v8  }
0x74: {  	vm0 =	vlt.s32 v8, v5;
	v9 =	vadd.s32 $0x61A8, v9  }
.Ltmp7:
0x75: {  	v6 =	vsel vm0, v6, v9;
	(pc) =	sbr.rel @p1 .LBB2_6-.Ltmp7, $4  }
0x76: {  	[tilespmem:s2+$0x0] =	vst v6;
	v6 =	vsel vm0, v7, v8  }
0x77: {  	s2 =	sadd.s32 $0x10, s2;
	[tilespmem:s0+$0x0] =	vst v6  }
0x78: {  	s0 =	sadd.s32 $0x10, s0;
	v6 =	vld [tilespmem:s2+$0x0]  }
0x79: {  	s28 =	sadd.s32 $0xFFFFFFFF, s28;
	s11 =	sadd.s32 $0x10, s11;
	v7 =	vld [tilespmem:s0+$0x0]  }
.LBB2_7:
0x7a: {  	v8 =	vor.u32 s11, v1  }
0x7b: {  	v9 =	vand.u32 $0x1FF, v8  }
0x7c: {  	vm0 =	vlt.s32 v8, v5;
	v5 =	vadd.s32 $0x61A8, v9  }
0x7d: {  	v5 =	vsel vm0, v6, v5  }
0x7e: {  	[tilespmem:s2+$0x0] =	vst v5;
	v5 =	vsel vm0, v7, v8  }
0x7f: {  	[tilespmem:s0+$0x0] =	vst v5  }
.LBB2_8:
0x80: {  	s28 =	sshra.s32 s26, $0x7  }
0x81: {  	s0 =	sadd.s32 $0x1, s28  }
0x82: {  	s2 =	sshra.s32 s0, $0x1  }
0x83: {  	p1 =	slt.s32 s2, $0x1  }
0x84: {  	s0 =	simm.s32 @!p1 $0x80  }
0x85: {  	s11 =	simm.s32 @!p1 $0x1000;
	s12 =	simm.s32 @!p1 $0x2020;
	p2 =	sgt.s32 @!p1 s28, $0x1  }
0x86: {  	[tilespmem:s12], [sflag:$0x1] =	stream.indirect.gather @!p1 [hbm4b:s1+s0], $0x40, s11, s0, $0xb8;
	[tilespmem:$0x1F020] =	vst v63  }
0x87: {  	p3 =	por !p2, p1  }
0x88: {  	s0 =	simm.s32 @!p3 $0x80;
	s11 =	simm.s32 @!p3 $0x1080;
	s12 =	simm.s32 @!p3 $0x4020  }
0x89: {  	[tilespmem:s12], [sflag:$0x2] =	stream.indirect.gather @!p3 [hbm4b:s1+s0], $0x40, s11, s0, $0xb8;
	[tilespmem:$0x1F020] =	vst v63  }
0x8a: {  	s11 =	simm.s32 @!p3 $0x1  }
0x8b: {  	_ =	swait.ge @!p3 [sflag:s11], $0x2000  }
0x8c: {  	[sflag:s11] =	ssyncset.done @!p3 $0x0  }
0x8d: {  	s29 =	simm.s32 @!p3 $0x2020;
	[sflag:s11] =	ssyncadd.s32 @!p3 $0xFFFFE000;
	s11 =	simm.s32 @!p3 $0x1810  }
0x8e: {  	[spmem:s3] =	stream.indirect.scatter.add.f32 @!p3 [tilespmem:s29], [sflag:$0x3], $0x40, s11, s0, $0xb8;
	[tilespmem:$0x1F020] =	vst v63  }
0x8f: {  	s11 =	simm.s32 @!p3 $0x2  }
0x90: {  	_ =	swait.ge @!p3 [sflag:s11], $0x2000  }
0x91: {  	[sflag:s11] =	ssyncset.done @!p3 $0x0  }
0x92: {  	p2 =	por p2, p1;
	[sflag:s11] =	ssyncadd.s32 @!p3 $0xFFFFE000;
	s11 =	simm.s32 @!p3 $0x1890  }
0x93: {  	[spmem:s3] =	stream.indirect.scatter.add.f32 @!p3 [tilespmem:s12], [sflag:$0x4], $0x40, s11, s0, $0xb8;
	[tilespmem:$0x1F020] =	vst v63  }
0x94: {  	s0 =	simm.s32 @!p2 $0x1  }
0x95: {  	_ =	swait.ge @!p2 [sflag:s0], $0x2000  }
0x96: {  	s11 =	simm.s32 @!p2 $0x1810;
	[sflag:s0] =	ssyncset.done @!p2 $0x0  }
0x97: {  	s12 =	simm.s32 @!p2 $0x2020;
	[sflag:s0] =	ssyncadd.s32 @!p2 $0xFFFFE000;
	s0 =	simm.s32 @!p2 $0x80  }
0x98: {  	[spmem:s3] =	stream.indirect.scatter.add.f32 @!p2 [tilespmem:s12], [sflag:$0x3], $0x40, s11, s0, $0xb8;
	[tilespmem:$0x1F020] =	vst v63  }
0x99: {  	p2 =	seq.s32 @!p1 s2, $0x1  }
0x9a: {  	p1 =	por p1, p2  }
.Ltmp8:
0x9b: {  	_ = 	snop;
	(pc) =	sbr.rel @p1 .LBB2_12-.Ltmp8, $1  }
0x9c: {  	_ =	sdelay $0x3  }
0x9d: {  	_ =	swait.ge [sflag:s22], $0x2000  }
0x9e: {  	[sflag:s22] =	ssyncset.done $0x0  }
0x9f: {  	s0 =	simm.s32 $0x1100;
	[sflag:s22] =	ssyncadd.s32 $0xFFFFE000  }
0xa0: {  	[tilespmem:s21], [sflag:$0x1] =	stream.indirect.gather [hbm4b:s1+s20], $0x40, s0, s20, $0xb8;
	[tilespmem:$0x1F020] =	vst v63  }
0xa1: {  	_ =	swait.ge [sflag:s23], $0x2000  }
0xa2: {  	p1 =	sle.s32 s28, $0x3;
	[sflag:s23] =	ssyncset.done $0x0  }
0xa3: {  	s0 =	simm.s32 @p1 $0x1;
	[sflag:s23] =	ssyncadd.s32 $0xFFFFE000  }
0xa4: {  	s12 =	simm.s32 $0x1910;
	_ =	swait.ge @p1 [sflag:s0], $0x2000  }
0xa5: {  	s2 =	sadd.s32 $0xFFFFFFFF, s2;
	s30 =	simm.s32 @!p1 $0x1;
	[sflag:s0] =	ssyncset.done @p1 $0x0  }
0xa6: {  	s11 =	simm.s32 @p1 $0x2020;
	[sflag:s0] =	ssyncadd.s32 @p1 $0xFFFFE000;
	s0 =	simm.s32 @p1 $0x80  }
0xa7: {  	[spmem:s3] =	stream.indirect.scatter.add.f32 @p1 [tilespmem:s11], [sflag:$0x3], $0x40, s12, s0, $0xb8;
	[tilespmem:$0x1F020] =	vst v63  }
0xa8: {  	s29 =	simm.s32 @!p1 $0x1180;
	s0 =	simm.s32 @!p1 $0x80;
	s11 =	simm.s32 @!p1 $0x4020  }
0xa9: {  	[tilespmem:s11], [sflag:$0x2] =	stream.indirect.gather @!p1 [hbm4b:s1+s0], $0x40, s29, s0, $0xb8;
	[tilespmem:$0x1F020] =	vst v63  }
0xaa: {  	s29 =	sadd.s32 $0xFFFFFFFF, s2;
	_ =	swait.ge @!p1 [sflag:s30], $0x2000  }
0xab: {  	s2 =	simm.s32 @!p1 $0x2;
	p2 =	sne.s32 s29, $0x0;
	[sflag:s30] =	ssyncset.done @!p1 $0x0  }
.Ltmp9:
0xac: {  	[sflag:s30] =	ssyncadd.s32 @!p1 $0xFFFFE000;
	s30 =	simm.s32 @!p1 $0x2020;
	(pc) =	sbr.rel @!p2 .LBB2_11-.Ltmp9, $4  }
0xad: {  	[spmem:s3] =	stream.indirect.scatter.add.f32 @!p1 [tilespmem:s30], [sflag:$0x3], $0x40, s12, s0, $0xb8;
	[tilespmem:$0x1F020] =	vst v63  }
0xae: {  	_ =	swait.ge @!p1 [sflag:s2], $0x2000  }
0xaf: {  	s31 =	simm.s32 $0x5;
	s30 =	simm.s32 $0x1200;
	[sflag:s2] =	ssyncset.done @!p1 $0x0  }
0xb0: {  	s12 =	simm.s32 @!p1 $0x1990;
	[sflag:s2] =	ssyncadd.s32 @!p1 $0xFFFFE000;
	s2 =	simm.s32 $0x1A10  }
.LBB2_10:
0xb1: {  	[spmem:s3] =	stream.indirect.scatter.add.f32 @!p1 [tilespmem:s11], [sflag:$0x4], $0x40, s12, s0, $0xb8;
	[tilespmem:$0x1F020] =	vst v63  }
0xb2: {  	s29 =	sadd.s32 $0xFFFFFFFF, s29;
	_ =	swait.ge [sflag:s22], $0x2000  }
0xb3: {  	p2 =	sne.s32 s29, $0x0;
	[sflag:s22] =	ssyncset.done $0x0  }
0xb4: {  	[sflag:s22] =	ssyncadd.s32 $0xFFFFE000  }
0xb5: {  	[tilespmem:s21], [sflag:$0x1] =	stream.indirect.gather [hbm4b:s1+s20], $0x40, s30, s20, $0xb8;
	[tilespmem:$0x1F020] =	vst v63  }
0xb6: {  	_ =	swait.ge [sflag:s23], $0x2000  }
0xb7: {  	p1 =	sge.s32 s31, s28;
	[sflag:s23] =	ssyncset.done $0x0  }
0xb8: {  	s0 =	simm.s32 @p1 $0x1;
	[sflag:s23] =	ssyncadd.s32 $0xFFFFE000  }
0xb9: {  	_ =	swait.ge @p1 [sflag:s0], $0x2000  }
0xba: {  	s12 =	simm.s32 @!p1 $0x1;
	[sflag:s0] =	ssyncset.done @p1 $0x0  }
0xbb: {  	s11 =	simm.s32 @p1 $0x2020;
	[sflag:s0] =	ssyncadd.s32 @p1 $0xFFFFE000;
	s0 =	simm.s32 @p1 $0x80  }
0xbc: {  	[spmem:s3] =	stream.indirect.scatter.add.f32 @p1 [tilespmem:s11], [sflag:$0x3], $0x40, s2, s0, $0xb8;
	[tilespmem:$0x1F020] =	vst v63  }
0xbd: {  	s4 =	sadd.s32 @!p1 $0x80, s30;
	s0 =	simm.s32 @!p1 $0x80;
	s11 =	simm.s32 @!p1 $0x4020  }
0xbe: {  	[tilespmem:s11], [sflag:$0x2] =	stream.indirect.gather @!p1 [hbm4b:s1+s0], $0x40, s4, s0, $0xb8;
	[tilespmem:$0x1F020] =	vst v63  }
0xbf: {  	_ =	swait.ge @!p1 [sflag:s12], $0x2000  }
0xc0: {  	s4 =	simm.s32 @!p1 $0x2;
	[sflag:s12] =	ssyncset.done @!p1 $0x0  }
.Ltmp10:
0xc1: {  	[sflag:s12] =	ssyncadd.s32 @!p1 $0xFFFFE000;
	s12 =	simm.s32 @!p1 $0x2020;
	(pc) =	sbr.rel @p2 .LBB2_10-.Ltmp10, $4  }
0xc2: {  	[spmem:s3] =	stream.indirect.scatter.add.f32 @!p1 [tilespmem:s12], [sflag:$0x3], $0x40, s2, s0, $0xb8;
	[tilespmem:$0x1F020] =	vst v63  }
0xc3: {  	_ =	swait.ge @!p1 [sflag:s4], $0x2000  }
0xc4: {  	s31 =	sadd.s32 $0x2, s31;
	s30 =	sadd.s32 $0x100, s30;
	[sflag:s4] =	ssyncset.done @!p1 $0x0  }
0xc5: {  	s12 =	sadd.s32 @!p1 $0x80, s2;
	s2 =	sadd.s32 $0x100, s2;
	[sflag:s4] =	ssyncadd.s32 @!p1 $0xFFFFE000  }
.Ltmp11:
0xc6: {  	_ = 	snop;
	(pc) =	sbr.rel .LBB2_11-.Ltmp11, $1  }
0xc7: {  	_ =	sdelay $0x3  }
.LBB2_13:
0xc8: {  	s25 =	simm.s32 $0x0  }
0xc9: {  	[tilespmem:s25], [sflag:$0x5] =	stream.linear.gather [hbm4b:s9+s25], $0x300, $0x38;
	[tilespmem:$0x1F020] =	vst v63  }
0xca: {  	_ =	swait.ge [sflag:s16], $0x300  }
0xcb: {  	[sflag:s16] =	ssyncset.done $0x0  }
0xcc: {  	[sflag:s16] =	ssyncadd.s32 $0xFFFFFD00  }
0xcd: {  	[tilespmem:s17], [sflag:$0x5] =	stream.linear.gather [hbm4b:s10+s25], $0x300, $0x38;
	[tilespmem:$0x1F020] =	vst v63  }
0xce: {  	_ =	swait.ge [sflag:s16], $0x300  }
0xcf: {  	[sflag:s16] =	ssyncset.done $0x0  }
0xd0: {  	s0 =	simm.s32 $0x0;
	[sflag:s16] =	ssyncadd.s32 $0xFFFFFD00  }
0xd1: {  	v5 =	vld [tilespmem:s0+$0x800];
	_ =	sdelay $0x4  }
0xd2: {  	vm0 =	vge.s32 v5, v0;
	vm1 =	vlt.s32 v5, v2  }
0xd3: {  	vm0 =	vmand vm0, vm1  }
0xd4: {  	v6 =	vsel vm0, $0x1, v3;
	v7 =	vmpcnt.ones.xlane vm0  }
0xd5: {  	(xrf0) =	vadd.scan.msk.s32 $0xffff, v6  }
0xd6: {  	(v2sf) =	vpush v7, $0x0;
	_ =	sdelay $0x3  }
0xd7: {  	v6 =	vsel vm0, $0xFFFFFFFF, v3  }
0xd8: {  	v6 =	vadd.s32 s25, v6;
	v8, _, _ =	vpop (xrf0)  }
0xd9: {  	v6 =	vadd.s32 v8, v6  }
0xda: {  	v6 =	vsel vm0, v6, v4  }
0xdb: {  	v7 =	vld [tilespmem:s0+$0x0];
	_ =	sdelay $0x1  }
0xdc: {  	s2 =	simm.s32 $0x40;
	s0 =	simm.s32 $0x80  }
.LBB2_14:
0xdd: {  	p1 =	sne.s32 s0, $0xBC0;
	v5 =	vsub.s32 v5, v0  }
0xde: {  	[tilespmem:v6+s18+$0x0] =	vst.idx.msk $0xffff, v5  }
0xdf: {  	s4 =	sshra.s32 s2, $0x2;
	s2 =	smov.u32 s0;
	[tilespmem:v6+s19+$0x0] =	vst.idx.msk $0xffff, v7  }
0xe0: {  	v5 =	vld [tilespmem:s4+$0x800]  }
0xe1: {  	s11 =	spop (v2sf)  }
0xe2: {  	s25 =	sadd.s32 s25, s11;
	_ =	sdelay $0x2  }
0xe3: {  	vm0 =	vge.s32 v5, v0;
	vm1 =	vlt.s32 v5, v2  }
0xe4: {  	vm0 =	vmand vm0, vm1  }
0xe5: {  	v6 =	vsel vm0, $0x1, v3;
	v7 =	vmpcnt.ones.xlane vm0  }
0xe6: {  	(xrf0) =	vadd.scan.msk.s32 $0xffff, v6  }
0xe7: {  	(v2sf) =	vpush v7, $0x0;
	_ =	sdelay $0x3  }
0xe8: {  	v6 =	vsel vm0, $0xFFFFFFFF, v3  }
0xe9: {  	v6 =	vadd.s32 s25, v6;
	v7, _, _ =	vpop (xrf0)  }
.Ltmp12:
0xea: {  	v6 =	vadd.s32 v7, v6;
	(pc) =	sbr.rel @p1 .LBB2_14-.Ltmp12, $3  }
0xeb: {  	v6 =	vsel vm0, v6, v4  }
0xec: {  	v7 =	vld [tilespmem:s4+$0x0];
	_ =	sdelay $0x1  }
0xed: {  	s0 =	sadd.s32 $0x40, s0  }
0xee: {  	_ =	sdelay $0x2  }
0xef: {  	v5 =	vsub.s32 v5, v0  }
0xf0: {  	[tilespmem:v6+s18+$0x0] =	vst.idx.msk $0xffff, v5  }
0xf1: {  	s0 =	sshra.s32 s2, $0x2;
	[tilespmem:v6+s19+$0x0] =	vst.idx.msk $0xffff, v7  }
0xf2: {  	v5 =	vld [tilespmem:s0+$0x800];
	_ =	sdelay $0x4  }
0xf3: {  	vm0 =	vge.s32 v5, v0;
	vm1 =	vlt.s32 v5, v2  }
0xf4: {  	vm0 =	vmand vm0, vm1  }
0xf5: {  	v6 =	vmpcnt.ones.xlane vm0;
	_ =	sdelay $0x1  }
0xf6: {  	(v2sf) =	vpush v6, $0x0;
	_ =	sdelay $0x9  }
0xf7: {  	v6 =	vsel vm0, $0x1, v3  }
0xf8: {  	(xrf0) =	vadd.scan.msk.s32 $0xffff, v6;
	_ =	sdelay $0x2  }
0xf9: {  	s30 =	spop (v2sf)  }
0xfa: {  	s2 =	sadd.s32 s25, s30;
	s4 =	spop (v2sf)  }
0xfb: {  	v6 =	vsel vm0, $0xFFFFFFFF, v3;
	s11 =	sadd.s32 s2, s4  }
0xfc: {  	v6 =	vadd.s32 s2, v6;
	v7, _, _ =	vpop (xrf0);
	s25 =	sadd.s32 $0x7F, s11  }
0xfd: {  	v6 =	vadd.s32 v7, v6;
	s31 =	sshra.s32 s25, $0x4  }
0xfe: {  	v7 =	vld [tilespmem:s0+$0x0];
	v6 =	vsel vm0, v6, v4;
	s26 =	sshra.s32 s11, $0x4;
	s0 =	sand.u32 $0xFFFFFFF8, s31  }
0xff: {  	p1 =	sle.s32 s0, s26  }
.Ltmp13:
0x100: {  	_ = 	snop;
	(pc) =	sbr.rel @p1 .LBB2_19-.Ltmp13, $4  }
0x101: {  	_ = 	snop  }
0x102: {  	v5 =	vsub.s32 v5, v0  }
0x103: {  	[tilespmem:v6+s18+$0x0] =	vst.idx.msk $0xffff, v5  }
0x104: {  	[tilespmem:v6+s19+$0x0] =	vst.idx.msk $0xffff, v7  }
0x105: {  	s12 =	ssub.s32 s0, s26  }
0x106: {  	p1 =	sne.s32 s12, $0x1  }
.Ltmp14:
0x107: {  	s2 =	sshll.u32 s26, $0x6;
	(pc) =	sbr.rel @!p1 .LBB2_18-.Ltmp14, $4  }
0x108: {  	s4 =	sshra.s32 s2, $0x2  }
0x109: {  	s2 =	sadd.s32 $0x1810, s4  }
0x10a: {  	s0 =	sadd.s32 $0x1000, s4;
	v6 =	vld [tilespmem:s2+$0x0]  }
0x10b: {  	v5 =	vmov s11;
	s11 =	sshll.u32 s26, $0x4;
	s26 =	sadd.s32 $0xFFFFFFFF, s12;
	v7 =	vld [tilespmem:s0+$0x0]  }
.LBB2_17:
0x10c: {  	p1 =	sne.s32 s26, $0x1;
	v8 =	vor.u32 s11, v1  }
0x10d: {  	v9 =	vand.u32 $0x1FF, v8  }
0x10e: {  	vm0 =	vlt.s32 v8, v5;
	v9 =	vadd.s32 $0x61A8, v9  }
.Ltmp15:
0x10f: {  	v6 =	vsel vm0, v6, v9;
	(pc) =	sbr.rel @p1 .LBB2_17-.Ltmp15, $4  }
0x110: {  	[tilespmem:s2+$0x0] =	vst v6;
	v6 =	vsel vm0, v7, v8  }
0x111: {  	s2 =	sadd.s32 $0x10, s2;
	[tilespmem:s0+$0x0] =	vst v6  }
0x112: {  	s0 =	sadd.s32 $0x10, s0;
	v6 =	vld [tilespmem:s2+$0x0]  }
0x113: {  	s26 =	sadd.s32 $0xFFFFFFFF, s26;
	s11 =	sadd.s32 $0x10, s11;
	v7 =	vld [tilespmem:s0+$0x0]  }
.LBB2_18:
0x114: {  	v8 =	vor.u32 s11, v1  }
0x115: {  	v9 =	vand.u32 $0x1FF, v8  }
0x116: {  	vm0 =	vlt.s32 v8, v5;
	v5 =	vadd.s32 $0x61A8, v9  }
0x117: {  	v5 =	vsel vm0, v6, v5  }
0x118: {  	[tilespmem:s2+$0x0] =	vst v5;
	v5 =	vsel vm0, v7, v8  }
0x119: {  	[tilespmem:s0+$0x0] =	vst v5  }
.LBB2_19:
0x11a: {  	s26 =	sshra.s32 s25, $0x7  }
0x11b: {  	s0 =	sadd.s32 $0x1, s26  }
0x11c: {  	s2 =	sshra.s32 s0, $0x1  }
0x11d: {  	p1 =	slt.s32 s2, $0x1  }
0x11e: {  	s0 =	simm.s32 @!p1 $0x80  }
0x11f: {  	s4 =	simm.s32 @!p1 $0x1000;
	s11 =	simm.s32 @!p1 $0x2020;
	p2 =	sgt.s32 @!p1 s26, $0x1  }
0x120: {  	[tilespmem:s11], [sflag:$0x1] =	stream.indirect.gather @!p1 [hbm4b:s1+s0], $0x40, s4, s0, $0xb8;
	[tilespmem:$0x1F020] =	vst v63  }
0x121: {  	p3 =	por !p2, p1  }
0x122: {  	s0 =	simm.s32 @!p3 $0x80;
	s4 =	simm.s32 @!p3 $0x1080;
	s11 =	simm.s32 @!p3 $0x4020  }
0x123: {  	[tilespmem:s11], [sflag:$0x2] =	stream.indirect.gather @!p3 [hbm4b:s1+s0], $0x40, s4, s0, $0xb8;
	[tilespmem:$0x1F020] =	vst v63  }
0x124: {  	s4 =	simm.s32 @!p3 $0x1  }
0x125: {  	_ =	swait.ge @!p3 [sflag:s4], $0x2000  }
0x126: {  	[sflag:s4] =	ssyncset.done @!p3 $0x0  }
0x127: {  	s12 =	simm.s32 @!p3 $0x2020;
	[sflag:s4] =	ssyncadd.s32 @!p3 $0xFFFFE000;
	s4 =	simm.s32 @!p3 $0x1810  }
0x128: {  	[spmem:s3] =	stream.indirect.scatter.add.f32 @!p3 [tilespmem:s12], [sflag:$0x3], $0x40, s4, s0, $0xb8;
	[tilespmem:$0x1F020] =	vst v63  }
0x129: {  	s4 =	simm.s32 @!p3 $0x2  }
0x12a: {  	_ =	swait.ge @!p3 [sflag:s4], $0x2000  }
0x12b: {  	[sflag:s4] =	ssyncset.done @!p3 $0x0  }
0x12c: {  	p2 =	por p2, p1;
	[sflag:s4] =	ssyncadd.s32 @!p3 $0xFFFFE000;
	s4 =	simm.s32 @!p3 $0x1890  }
0x12d: {  	[spmem:s3] =	stream.indirect.scatter.add.f32 @!p3 [tilespmem:s11], [sflag:$0x4], $0x40, s4, s0, $0xb8;
	[tilespmem:$0x1F020] =	vst v63  }
0x12e: {  	s0 =	simm.s32 @!p2 $0x1  }
0x12f: {  	_ =	swait.ge @!p2 [sflag:s0], $0x2000  }
0x130: {  	s4 =	simm.s32 @!p2 $0x1810;
	[sflag:s0] =	ssyncset.done @!p2 $0x0  }
0x131: {  	s11 =	simm.s32 @!p2 $0x2020;
	[sflag:s0] =	ssyncadd.s32 @!p2 $0xFFFFE000;
	s0 =	simm.s32 @!p2 $0x80  }
0x132: {  	[spmem:s3] =	stream.indirect.scatter.add.f32 @!p2 [tilespmem:s11], [sflag:$0x3], $0x40, s4, s0, $0xb8;
	[tilespmem:$0x1F020] =	vst v63  }
0x133: {  	p2 =	seq.s32 @!p1 s2, $0x1  }
0x134: {  	p1 =	por p1, p2  }
.Ltmp16:
0x135: {  	_ = 	snop;
	(pc) =	sbr.rel @p1 .LBB2_23-.Ltmp16, $1  }
0x136: {  	_ =	sdelay $0x3  }
0x137: {  	_ =	swait.ge [sflag:s22], $0x2000  }
0x138: {  	[sflag:s22] =	ssyncset.done $0x0  }
0x139: {  	s0 =	simm.s32 $0x1100;
	[sflag:s22] =	ssyncadd.s32 $0xFFFFE000  }
0x13a: {  	[tilespmem:s21], [sflag:$0x1] =	stream.indirect.gather [hbm4b:s1+s20], $0x40, s0, s20, $0xb8;
	[tilespmem:$0x1F020] =	vst v63  }
0x13b: {  	_ =	swait.ge [sflag:s23], $0x2000  }
0x13c: {  	p1 =	sle.s32 s26, $0x3;
	[sflag:s23] =	ssyncset.done $0x0  }
0x13d: {  	s0 =	simm.s32 @p1 $0x1;
	[sflag:s23] =	ssyncadd.s32 $0xFFFFE000  }
0x13e: {  	s4 =	simm.s32 $0x1910;
	_ =	swait.ge @p1 [sflag:s0], $0x2000  }
0x13f: {  	s2 =	sadd.s32 $0xFFFFFFFF, s2;
	s12 =	simm.s32 @!p1 $0x1;
	[sflag:s0] =	ssyncset.done @p1 $0x0  }
0x140: {  	s11 =	simm.s32 @p1 $0x2020;
	[sflag:s0] =	ssyncadd.s32 @p1 $0xFFFFE000;
	s0 =	simm.s32 @p1 $0x80  }
0x141: {  	[spmem:s3] =	stream.indirect.scatter.add.f32 @p1 [tilespmem:s11], [sflag:$0x3], $0x40, s4, s0, $0xb8;
	[tilespmem:$0x1F020] =	vst v63  }
0x142: {  	s28 =	simm.s32 @!p1 $0x1180;
	s0 =	simm.s32 @!p1 $0x80;
	s11 =	simm.s32 @!p1 $0x4020  }
0x143: {  	[tilespmem:s11], [sflag:$0x2] =	stream.indirect.gather @!p1 [hbm4b:s1+s0], $0x40, s28, s0, $0xb8;
	[tilespmem:$0x1F020] =	vst v63  }
0x144: {  	s28 =	sadd.s32 $0xFFFFFFFF, s2;
	_ =	swait.ge @!p1 [sflag:s12], $0x2000  }
0x145: {  	s2 =	simm.s32 @!p1 $0x2;
	p2 =	sne.s32 s28, $0x0;
	[sflag:s12] =	ssyncset.done @!p1 $0x0  }
.Ltmp17:
0x146: {  	[sflag:s12] =	ssyncadd.s32 @!p1 $0xFFFFE000;
	s12 =	simm.s32 @!p1 $0x2020;
	(pc) =	sbr.rel @!p2 .LBB2_22-.Ltmp17, $4  }
0x147: {  	[spmem:s3] =	stream.indirect.scatter.add.f32 @!p1 [tilespmem:s12], [sflag:$0x3], $0x40, s4, s0, $0xb8;
	[tilespmem:$0x1F020] =	vst v63  }
0x148: {  	_ =	swait.ge @!p1 [sflag:s2], $0x2000  }
0x149: {  	s29 =	simm.s32 $0x1200;
	s30 =	simm.s32 $0x5;
	[sflag:s2] =	ssyncset.done @!p1 $0x0  }
0x14a: {  	s12 =	simm.s32 @!p1 $0x1990;
	[sflag:s2] =	ssyncadd.s32 @!p1 $0xFFFFE000;
	s2 =	simm.s32 $0x1A10  }
.LBB2_21:
0x14b: {  	[spmem:s3] =	stream.indirect.scatter.add.f32 @!p1 [tilespmem:s11], [sflag:$0x4], $0x40, s12, s0, $0xb8;
	[tilespmem:$0x1F020] =	vst v63  }
0x14c: {  	s28 =	sadd.s32 $0xFFFFFFFF, s28;
	_ =	swait.ge [sflag:s22], $0x2000  }
0x14d: {  	p2 =	sne.s32 s28, $0x0;
	[sflag:s22] =	ssyncset.done $0x0  }
0x14e: {  	[sflag:s22] =	ssyncadd.s32 $0xFFFFE000  }
0x14f: {  	[tilespmem:s21], [sflag:$0x1] =	stream.indirect.gather [hbm4b:s1+s20], $0x40, s29, s20, $0xb8;
	[tilespmem:$0x1F020] =	vst v63  }
0x150: {  	_ =	swait.ge [sflag:s23], $0x2000  }
0x151: {  	p1 =	sge.s32 s30, s26;
	[sflag:s23] =	ssyncset.done $0x0  }
0x152: {  	s0 =	simm.s32 @p1 $0x1;
	[sflag:s23] =	ssyncadd.s32 $0xFFFFE000  }
0x153: {  	_ =	swait.ge @p1 [sflag:s0], $0x2000  }
0x154: {  	s4 =	simm.s32 @!p1 $0x1;
	[sflag:s0] =	ssyncset.done @p1 $0x0  }
0x155: {  	s11 =	simm.s32 @p1 $0x2020;
	[sflag:s0] =	ssyncadd.s32 @p1 $0xFFFFE000;
	s0 =	simm.s32 @p1 $0x80  }
0x156: {  	[spmem:s3] =	stream.indirect.scatter.add.f32 @p1 [tilespmem:s11], [sflag:$0x3], $0x40, s2, s0, $0xb8;
	[tilespmem:$0x1F020] =	vst v63  }
0x157: {  	s12 =	sadd.s32 @!p1 $0x80, s29;
	s0 =	simm.s32 @!p1 $0x80;
	s11 =	simm.s32 @!p1 $0x4020  }
0x158: {  	[tilespmem:s11], [sflag:$0x2] =	stream.indirect.gather @!p1 [hbm4b:s1+s0], $0x40, s12, s0, $0xb8;
	[tilespmem:$0x1F020] =	vst v63  }
0x159: {  	_ =	swait.ge @!p1 [sflag:s4], $0x2000  }
0x15a: {  	s12 =	simm.s32 @!p1 $0x2;
	[sflag:s4] =	ssyncset.done @!p1 $0x0  }
.Ltmp18:
0x15b: {  	[sflag:s4] =	ssyncadd.s32 @!p1 $0xFFFFE000;
	s4 =	simm.s32 @!p1 $0x2020;
	(pc) =	sbr.rel @p2 .LBB2_21-.Ltmp18, $4  }
0x15c: {  	[spmem:s3] =	stream.indirect.scatter.add.f32 @!p1 [tilespmem:s4], [sflag:$0x3], $0x40, s2, s0, $0xb8;
	[tilespmem:$0x1F020] =	vst v63  }
0x15d: {  	_ =	swait.ge @!p1 [sflag:s12], $0x2000  }
0x15e: {  	s30 =	sadd.s32 $0x2, s30;
	s29 =	sadd.s32 $0x100, s29;
	[sflag:s12] =	ssyncset.done @!p1 $0x0  }
0x15f: {  	[sflag:s12] =	ssyncadd.s32 @!p1 $0xFFFFE000;
	s12 =	sadd.s32 @!p1 $0x80, s2;
	s2 =	sadd.s32 $0x100, s2  }
.LBB2_22:
0x160: {  	[spmem:s3] =	stream.indirect.scatter.add.f32 @!p1 [tilespmem:s11], [sflag:$0x4], $0x40, s12, s0, $0xb8;
	[tilespmem:$0x1F020] =	vst v63  }
.LBB2_23:
0x161: {  	p1 =	slt.s32 s26, $0x1  }
0x162: {  	s0 =	simm.s32 @!p1 $0x3;
	s2 =	sand.u32 @!p1 $0x80, s25  }
0x163: {  	_ =	swait.ge @!p1 [sflag:s0], $0x2000;
	p2 =	sne.s32 @!p1 s2, $0x0  }
.Ltmp19:
0x164: {  	[sflag:s0] =	ssyncset.done @!p1 $0x0;
	p2 =	por p2, p1;
	(pc) =	sbr.rel @p0 .LBB2_25-.Ltmp19, $4  }
0x165: {  	[sflag:s0] =	ssyncadd.s32 @!p1 $0xFFFFE000;
	s0 =	simm.s32 @!p2 $0x4  }
0x166: {  	_ =	swait.ge @!p2 [sflag:s0], $0x2000  }
0x167: {  	[sflag:s0] =	ssyncset.done @!p2 $0x0  }
0x168: {  	[sflag:s0] =	ssyncadd.s32 @!p2 $0xFFFFE000  }
0x169: {  	s0 =	simm.s32 $0x0;
	s2 =	rddreg [dreg:$0x4]  }
0x16a: {  	[tilespmem:s0], [sflag:$0x5] =	stream.linear.gather [hbm4b:s2+s0], $0x80, $0x38;
	[tilespmem:$0x1F020] =	vst v63  }
0x16b: {  	_ =	swait.ge [sflag:s16], $0x80  }
0x16c: {  	[sflag:s16] =	ssyncset.done $0x0  }
0x16d: {  	s31 =	rddreg [dreg:$0x5];
	[sflag:s16] =	ssyncadd.s32 $0xFFFFFF80  }
0x16e: {  	[tilespmem:s17], [sflag:$0x5] =	stream.linear.gather [hbm4b:s31+s0], $0x80, $0x38;
	[tilespmem:$0x1F020] =	vst v63  }
0x16f: {  	_ =	swait.ge [sflag:s16], $0x80  }
0x170: {  	[sflag:s16] =	ssyncset.done $0x0  }
0x171: {  	[sflag:s16] =	ssyncadd.s32 $0xFFFFFF80  }
0x172: {  	v5 =	vld [tilespmem:$0x800];
	_ =	sdelay $0x1  }
0x173: {  	v6 =	vld [tilespmem:$0x810]  }
0x174: {  	v8 =	vld [tilespmem:$0x820]  }
0x175: {  	v10 =	vld [tilespmem:$0x840]  }
0x176: {  	v11 =	vld [tilespmem:$0x850];
	vm0 =	vge.s32 v5, v0  }
0x177: {  	v12 =	vld [tilespmem:$0x860];
	vm1 =	vlt.s32 v5, v2;
	v7 =	vand.u32 $0x1FF, v5;
	v5 =	vsub.s32 v5, v0  }
0x178: {  	vm15 =	vge.s32 v6, v0;
	vm4 =	vlt.s32 v6, v2;
	v9 =	vand.u32 $0x1FF, v6  }
0x179: {  	v6 =	vsub.s32 v6, v0;
	vm5 =	vge.s32 v8, v0;
	vm6 =	vlt.s32 v8, v2  }
0x17a: {  	v59 =	vld [tilespmem:$0x870];
	v57 =	vsub.s32 v8, v0;
	v8 =	vand.u32 $0x1FF, v8;
	vm8 =	vge.s32 v10, v0  }
0x17b: {  	vm3 =	vlt.s32 v10, v2;
	v58 =	vand.u32 $0x1FF, v10;
	vm10 =	vge.s32 v11, v0  }
0x17c: {  	vm11 =	vlt.s32 v11, v2;
	vm12 =	vge.s32 v12, v0;
	vm13 =	vlt.s32 v12, v2  }
0x17d: {  	v60 =	vand.u32 $0x1FF, v11;
	vm0 =	vmand vm0, vm1;
	v7 =	vadd.s32 $0x61A8, v7  }
0x17e: {  	v61 =	vand.u32 $0x1FF, v12;
	v63 =	vsub.s32 v12, v0;
	v5 =	vsel vm0, v5, v7;
	v7 =	vld [tilespmem:$0x830]  }
0x17f: {  	vm14 =	vge.s32 v59, v0;
	v9 =	vadd.s32 $0x61A8, v9;
	v8 =	vadd.s32 $0x61A8, v8  }
0x180: {  	vm9 =	vmand vm8, vm3;
	v62 =	vadd.s32 $0x61A8, v60;
	vm0 =	vmand vm15, vm4  }
0x181: {  	vm15 =	vlt.s32 v59, v2;
	v6 =	vsel vm0, v6, v9;
	vm0 =	vmand vm5, vm6  }
0x182: {  	[tilespmem:$0x800] =	vst v5;
	v5 =	vsub.s32 v10, v0;
	v9 =	vadd.s32 $0x61A8, v58;
	v8 =	vsel vm0, v57, v8  }
0x183: {  	[tilespmem:$0x810] =	vst v6;
	v6 =	vsub.s32 v11, v0;
	v11 =	vadd.s32 $0x61A8, v61;
	vm7 =	vge.s32 v7, v0  }
0x184: {  	vm2 =	vlt.s32 v7, v2;
	v13 =	vsub.s32 v7, v0;
	v7 =	vand.u32 $0x1FF, v7  }
0x185: {  	v5 =	vsel vm9, v5, v9;
	[tilespmem:$0x820] =	vst v8;
	vm1 =	vmand vm7, vm2;
	v7 =	vadd.s32 $0x61A8, v7  }
0x186: {  	vm0 =	vmand vm14, vm15;
	[tilespmem:$0x840] =	vst v5;
	v7 =	vsel vm1, v13, v7;
	vm1 =	vmand vm10, vm11  }
0x187: {  	v5 =	vand.u32 $0x1FF, v59;
	vm2 =	vmand vm12, vm13;
	[tilespmem:$0x830] =	vst v7;
	v6 =	vsel vm1, v6, v62  }
0x188: {  	v5 =	vadd.s32 $0x61A8, v5;
	v7 =	vsel vm2, v63, v11;
	[tilespmem:$0x850] =	vst v6;
	v6 =	vsub.s32 v59, v0  }
0x189: {  	[tilespmem:$0x860] =	vst v7;
	v5 =	vsel vm0, v6, v5  }
0x18a: {  	[tilespmem:$0x870] =	vst v5  }
0x18b: {  	[tilespmem:s21], [sflag:$0x5] =	stream.indirect.gather [hbm4b:s1+s20], $0x40, s0, s20, $0xb8;
	[tilespmem:$0x1F020] =	vst v63  }
0x18c: {  	_ =	swait.ge [sflag:s16], $0x2000  }
0x18d: {  	[sflag:s16] =	ssyncset.done $0x0  }
.Ltmp20:
0x18e: {  	[sflag:s16] =	ssyncadd.s32 $0xFFFFE000;
	(pc) =	sbr.rel .LBB2_25-.Ltmp20, $4  }
0x18f: {  	[spmem:s3] =	stream.indirect.scatter.add.f32 [tilespmem:s21], [sflag:$0x5], $0x40, s17, s20, $0xb8;
	[tilespmem:$0x1F020] =	vst v63  }
0x190: {  	_ =	swait.ge [sflag:s16], $0x2000  }
0x191: {  	[sflag:s16] =	ssyncset.done $0x0  }
0x192: {  	[sflag:s16] =	ssyncadd.s32 $0xFFFFE000  }
.LBB2_26:
0x193: {  	_ =	sfence.sel $0x180000  }
0x194: {  	[bflag:$0x0] =	sbarrier.arrive $0xFFFF  }
0x195: {  	_ =	strace $0x9000004A  }
0x196: {  	s0 =	stileid.u32;
	[bflag:$0x2] =	sbarrier.arrive $0xFFFF  }
0x197: {  	p0 =	sne.s32 s0, $0x0;
	s0 =	rddreg [dreg:$0x3]  }
0x198: {  	s0 =	sadd.s32 @!p0 $0x100000, s0  }
0x199: {  	[sflag:s0] =	ssyncadd.tile.s32 @!p0 $0x1;
	_ =	shalt  }
.Lfunc_end2:
_tile_overlayer_lowered:
.L_overlay_start_2:
0x19a: {  	(tag) =	ssettag $0x2  }
0x19b: {  	s0 =	rddreg [dreg:$0x0];
	s2 =	stileid.u32  }
0x19c: {  	s1 =	rddreg [dreg:$0x1];
	p0 =	sne.s32 s2, $0x0  }
0x19d: {  	s3 =	rddreg [dreg:$0x2];
	[bflag:$0x3] =	sbarrier.arrive $0xFFFF;
	s2 =	simm.s32 @!p0 $0x1C05  }
0x19e: {  	[timem:s3], [sflag:s2] =	dma.local @!p0 [hbm:s0], s1  }
0x19f: {  	s0 =	simm.s32 @!p0 $0x5  }
0x1a0: {  	_ =	swait.ge @!p0 [sflag:s0], s1  }
0x1a1: {  	s1 =	ssub.s32 @!p0 $0x0, s1;
	[sflag:s0] =	ssyncset.done @!p0 $0x0  }
0x1a2: {  	[sflag:s0] =	ssyncadd.s32 @!p0 s1  }
0x1a3: {  	[bflag:$0x3] =	sbarrier.arrive $0xFFFF  }
0x1a4: {  	_ =	shalt  }

</sc_bundles>
